<compile_context>
chip_gen: v7x
topology: tpu7x:2x2x1
jax: 0.10.2.dev20260603
libtpu: 0.0.44.dev20260713+nightly
codegen_flags: <defaults>
</compile_context>

<pallas_src>
import functools

import jax
import jax.numpy as jnp
from jax import lax
from jax.experimental import pallas as pl
from jax.experimental.pallas import tpu as pltpu
from jax.experimental.pallas import tpu_sc as plsc

B = 4096
F = 26
D = 16
DFM = 5
HID = 20
FP = 32
NC, NS = 2, 16
NW = NC * NS
BPW = B // NW
RPW = F * BPW
NSTR = RPW // 128
CH = 4
BPC = BPW // CH
NG = FP * D // 128


def _sc_gather(table, idx_r):
  mesh = plsc.VectorSubcoreMesh(core_axis_name="c", subcore_axis_name="s",
                                num_cores=NC, num_subcores=NS)

  @functools.partial(
      pl.kernel,
      out_type=jax.ShapeDtypeStruct((NG, B, 8 * D), jnp.float32),
      mesh=mesh,
      compiler_params=pltpu.CompilerParams(use_tc_tiling_on_sc=False),
      scratch_types=[
          pltpu.VMEM((NSTR, 128), jnp.int32),
          pltpu.VMEM((RPW, D), jnp.float32),
          pltpu.VMEM((2, NG, BPC, 8 * D), jnp.float32),
          [pltpu.SemaphoreType.DMA] * 8,
      ],
  )
  def gather(idx_hbm, table_hbm, out_hbm, idx_v, buf, buf2, sems):
    wid = lax.axis_index("s") * NC + lax.axis_index("c")
    pltpu.sync_copy(idx_hbm.at[wid], idx_v)

    for t in range(NSTR):
      pltpu.async_copy(table_hbm.at[idx_v.at[t]],
                       buf.at[pl.ds(t * 128, 128)], sems[t % 8])
    for t in range(NSTR):
      pltpu.make_async_copy(table_hbm.at[idx_v.at[t]],
                            buf.at[pl.ds(t * 128, 128)], sems[t % 8]).wait()

    zero = jnp.zeros((D,), jnp.float32)
    def chunk(c, carry):
      ph = lax.rem(c, 2)
      def rl(rr, carry2):
        for q in range(NG):
          for k in range(8):
            f = 8 * q + k
            if f < F:
              buf2[ph, q, rr, pl.ds(k * D, D)] = \
                  buf[(c * BPC + rr) * F + f, :]
            else:
              buf2[ph, q, rr, pl.ds(k * D, D)] = zero
        return carry2
      lax.fori_loop(0, BPC, rl, 0)
      for q in range(NG):
        pltpu.sync_copy(
            buf2.at[ph, q],
            out_hbm.at[q, pl.ds(wid * BPW + c * BPC, BPC), :])
      return carry
    lax.fori_loop(0, CH, chunk, 0)

  return gather(idx_r, table)


def _tc_dense(emb_q, dense_features, labels2, G4, Wd0, W_dense,
              b_dense, b_deep, W1a, w1row, b1, W2, b2):
  def body(emb_ref, dense_ref, lab_ref, g_ref, wd0_ref, wdn_ref,
           bdn_ref, bdp_ref, w1_ref, w1r_ref, b1_ref, w2_ref, b2_ref,
           loss_ref, p_ref):
    acc = None
    sq = None
    for q in range(NG):
      e = emb_ref[q]
      a_q = jnp.dot(e, g_ref[q], preferred_element_type=jnp.float32)
      s_q = jnp.dot(e * e, g_ref[q, :, 0:D],
                    preferred_element_type=jnp.float32)
      acc = a_q if acc is None else acc + a_q
      sq = s_q if sq is None else sq + s_q
    dense_e = jnp.maximum(
        jnp.dot(dense_ref[...], wdn_ref[...],
                preferred_element_type=jnp.float32) + bdn_ref[...], 0.0)
    s = acc[:, 0:D] + dense_e
    deep = jnp.maximum(
        acc[:, D:D + DFM]
        + jnp.dot(dense_e, wd0_ref[...], preferred_element_type=jnp.float32)
        + bdp_ref[...], 0.0)
    fmv = s * s - (sq + dense_e * dense_e)
    fm = 0.5 * jnp.dot(fmv, jnp.ones((D, 1), jnp.float32),
                       preferred_element_type=jnp.float32)
    h = jnp.maximum(
        jnp.dot(deep, w1_ref[...], preferred_element_type=jnp.float32)
        + fm * w1r_ref[...] + b1_ref[...], 0.0)
    logits = jnp.dot(h, w2_ref[...],
                     preferred_element_type=jnp.float32) + b2_ref[...]
    p = 1.0 / (1.0 + jnp.exp(-logits))
    p = jnp.clip(p, 1e-7, 1.0 - 1e-7)
    lab = lab_ref[...]
    ll = lab * jnp.log(p) + (1.0 - lab) * jnp.log(1.0 - p)
    loss_ref[...] = jnp.broadcast_to(-jnp.sum(ll) * (1.0 / B), (1, 1))
    p_ref[...] = p

  return pl.pallas_call(
      body,
      out_shape=(jax.ShapeDtypeStruct((1, 1), jnp.float32),
                 jax.ShapeDtypeStruct((B, 1), jnp.float32)),
  )(emb_q, dense_features, labels2, G4, Wd0, W_dense,
    b_dense, b_deep, W1a, w1row, b1, W2, b2)


def kernel(dense_features, sparse_features, permu, labels, table, W_dense,
           b_dense, W_deep, b_deep, W_over1, b_over1, W_over2, b_over2):
  idx = jnp.take(sparse_features, permu, axis=1).astype(jnp.int32)
  idx_r = idx.reshape(NW, NSTR, 128)

  emb_q = _sc_gather(table, idx_r)

  Wd_emb = W_deep[D:(F + 1) * D].reshape(F, D, DFM)
  Wd512 = jnp.pad(Wd_emb, ((0, FP - F), (0, 0), (0, 0))).reshape(FP * D, DFM)
  eye = jnp.broadcast_to(jnp.eye(D, dtype=jnp.float32)[None], (FP, D, D))
  msk = (jnp.arange(FP) < F).astype(jnp.float32)[:, None, None]
  M512 = (eye * msk).reshape(FP * D, D)
  G4 = jnp.concatenate([M512, Wd512], axis=1).reshape(NG, 128, D + DFM)

  loss, p = _tc_dense(
      emb_q, dense_features, labels.reshape(B, 1), G4,
      W_deep[0:D], W_dense, b_dense.reshape(1, D), b_deep.reshape(1, DFM),
      W_over1[0:DFM], W_over1[DFM:DFM + 1], b_over1.reshape(1, HID),
      W_over2, b_over2.reshape(1, 1))
  return (loss.reshape(()), p.reshape(B), labels)

# --- scband reference (transcript-rebuilt; emitter-appended) ---
"""Pipeline reference for scband-deep-fm-6442450944505 (READ-ONLY COPY).

The authoritative reference and input builder live on the scoring server;
editing this copy changes nothing except your own understanding.
"""

import jax, jax.numpy as jnp
import numpy as np

B = 4096
F = 26
V = 1000000
D = 16
DENSE = 13
DFM = 5
HID = 20


def setup_inputs(seed: int = 0) -> dict:
    key = jax.random.key(seed)
    ks = jax.random.split(key, 12)
    dense_features = jax.random.normal(ks[0], (B, DENSE), dtype=jnp.float32)
    sparse_features = jax.random.randint(ks[1], (B, F), 0, V, dtype=jnp.int64)
    permu = jnp.arange(F, dtype=jnp.int64)
    labels = jax.random.uniform(ks[2], (B,), dtype=jnp.float32)
    table = jax.random.normal(ks[3], (V, D), dtype=jnp.float32) * 0.01
    W_dense = jax.random.normal(ks[4], (DENSE, D), dtype=jnp.float32) * 0.1
    b_dense = jnp.zeros((D,), dtype=jnp.float32)
    W_deep = jax.random.normal(ks[5], ((F + 1) * D, DFM), dtype=jnp.float32) * 0.05
    b_deep = jnp.zeros((DFM,), dtype=jnp.float32)
    W_over1 = jax.random.normal(ks[6], (DFM + 1, HID), dtype=jnp.float32) * 0.1
    b_over1 = jnp.zeros((HID,), dtype=jnp.float32)
    W_over2 = jax.random.normal(ks[7], (HID, 1), dtype=jnp.float32) * 0.1
    b_over2 = jnp.zeros((1,), dtype=jnp.float32)
    return {
        "dense_features": dense_features,
        "sparse_features": sparse_features,
        "permu": permu,
        "labels": labels,
        "table": table,
        "W_dense": W_dense,
        "b_dense": b_dense,
        "W_deep": W_deep,
        "b_deep": b_deep,
        "W_over1": W_over1,
        "b_over1": b_over1,
        "W_over2": W_over2,
        "b_over2": b_over2,
    }


def reference(dense_features, sparse_features, permu, labels, table, W_dense,
              b_dense, W_deep, b_deep, W_over1, b_over1, W_over2, b_over2):
    # SparseArch: embedding lookup (one id per field -> bag of size 1, sum pooling)
    emb = jnp.take(table, sparse_features, axis=0)          # [B, F, D]
    emb = jnp.take(emb, permu, axis=1)                      # unified-permutation
    # DenseArch
    dense_e = jax.nn.relu(dense_features @ W_dense + b_dense)[:, None, :]  # [B,1,D]
    all_feats = jnp.concatenate([dense_e, emb], axis=1)     # [B, F+1, D]
    # FM interaction: 0.5 * ((sum v)^2 - sum v^2)
    s = jnp.sum(all_feats, axis=1)
    fm = 0.5 * jnp.sum(s * s - jnp.sum(all_feats * all_feats, axis=1), axis=1,
                       keepdims=True)                       # [B, 1]
    # Deep part
    deep = jax.nn.relu(all_feats.reshape(B, -1) @ W_deep + b_deep)  # [B, DFM]
    # OverArch
    over_in = jnp.concatenate([deep, fm], axis=1)           # [B, DFM+1]
    h = jax.nn.relu(over_in @ W_over1 + b_over1)
    logits = (h @ W_over2 + b_over2).squeeze(-1)            # [B]
    p = jax.nn.sigmoid(logits)
    p = jnp.clip(p, 1e-7, 1.0 - 1e-7)
    loss = -jnp.mean(labels * jnp.log(p) + (1.0 - labels) * jnp.log1p(-p))
    return (loss, p, labels)

if __name__ == "__main__":
    import jax
    _d = setup_inputs()
    print(jax.jit(kernel)(*tuple(_d.values())))

</pallas_src>

<mosaic_0001>
#map = affine_map<(d0, d1) -> (0, 0, 0)>
#map1 = affine_map<(d0, d1) -> (0, 0)>
module attributes {stable_mosaic.version = 14 : i64} {
  func.func @gather(%arg0: i32, %arg1: i32, %arg2: memref<32x26x128xi32, #tpu.memory_space<hbm>>, %arg3: memref<1000000x16xf32, #tpu.memory_space<hbm>>, %arg4: memref<4x4096x128xf32, #tpu.memory_space<hbm>>, %arg5: memref<26x128xi32, #tpu.memory_space<vmem>>, %arg6: memref<3328x16xf32, #tpu.memory_space<vmem>>, %arg7: memref<2x4x32x128xf32, #tpu.memory_space<vmem>>, %arg8: memref<!tpu.dma_semaphore, #tpu.memory_space<semaphore_mem>>, %arg9: memref<!tpu.dma_semaphore, #tpu.memory_space<semaphore_mem>>, %arg10: memref<!tpu.dma_semaphore, #tpu.memory_space<semaphore_mem>>, %arg11: memref<!tpu.dma_semaphore, #tpu.memory_space<semaphore_mem>>, %arg12: memref<!tpu.dma_semaphore, #tpu.memory_space<semaphore_mem>>, %arg13: memref<!tpu.dma_semaphore, #tpu.memory_space<semaphore_mem>>, %arg14: memref<!tpu.dma_semaphore, #tpu.memory_space<semaphore_mem>>, %arg15: memref<!tpu.dma_semaphore, #tpu.memory_space<semaphore_mem>>) attributes {dimension_semantics = [#tpu.dimension_semantics<core_parallel>, #tpu.dimension_semantics<subcore_parallel>], iteration_bounds = array<i64: 2, 16>, scalar_prefetch = 0 : i64, scratch_operands = 11 : i64, tpu.core_type = #tpu.core_type<sc_vector_subcore>, window_params = [{transform_indices = #map}, {transform_indices = #map1}, {transform_indices = #map}]} {
    %mul3A = arith.constant 2 : i32
    %mul3A_0 = arith.muli %arg1, %mul3A : i32
    %add3A = arith.addi %mul3A_0, %arg0 : i32
    "tpu.region"() ({
      %run_scoped3A = tpu.sem_alloc : memref<!tpu.dma_semaphore, #tpu.memory_space<semaphore_mem>>
      %dma_start3A_525 = arith.constant 0 : i32
      %dma_start3A_526 = arith.constant 0 : i32
      %dma_start3A_527 = tpu.memref_slice %arg2[%add3A, %dma_start3A_525, %dma_start3A_526] : memref<32x26x128xi32, #tpu.memory_space<hbm>> -> memref<1x26x128xi32, #tpu.memory_space<hbm>>
      %dma_start3A_528 = tpu.memref_squeeze %dma_start3A_527 : memref<1x26x128xi32, #tpu.memory_space<hbm>> -> memref<26x128xi32, #tpu.memory_space<hbm>>
      %dma_start3A_529 = arith.constant 0 : i32
      %dma_start3A_530 = arith.constant 0 : i32
      %dma_start3A_531 = tpu.memref_slice %arg2[%add3A, %dma_start3A_529, %dma_start3A_530] : memref<32x26x128xi32, #tpu.memory_space<hbm>> -> memref<1x26x128xi32, #tpu.memory_space<hbm>>
      %dma_start3A_532 = tpu.memref_squeeze %dma_start3A_531 : memref<1x26x128xi32, #tpu.memory_space<hbm>> -> memref<26x128xi32, #tpu.memory_space<hbm>>
      tpu.enqueue_dma source(%dma_start3A_532 : memref<26x128xi32, #tpu.memory_space<hbm>>) target(%arg5 : memref<26x128xi32, #tpu.memory_space<vmem>>) target_semaphore(%run_scoped3A : memref<!tpu.dma_semaphore, #tpu.memory_space<semaphore_mem>>)
      %dma_wait3A_533 = arith.constant 0 : i32
      %dma_wait3A_534 = arith.constant 0 : i32
      %dma_wait3A_535 = tpu.memref_slice %arg2[%add3A, %dma_wait3A_533, %dma_wait3A_534] : memref<32x26x128xi32, #tpu.memory_space<hbm>> -> memref<1x26x128xi32, #tpu.memory_space<hbm>>
      %dma_wait3A_536 = tpu.memref_squeeze %dma_wait3A_535 : memref<1x26x128xi32, #tpu.memory_space<hbm>> -> memref<26x128xi32, #tpu.memory_space<hbm>>
      %dma_wait3A_537 = arith.constant 0 : i32
      %dma_wait3A_538 = arith.constant 0 : i32
      %dma_wait3A_539 = tpu.memref_slice %arg2[%add3A, %dma_wait3A_537, %dma_wait3A_538] : memref<32x26x128xi32, #tpu.memory_space<hbm>> -> memref<1x26x128xi32, #tpu.memory_space<hbm>>
      %dma_wait3A_540 = tpu.memref_squeeze %dma_wait3A_539 : memref<1x26x128xi32, #tpu.memory_space<hbm>> -> memref<26x128xi32, #tpu.memory_space<hbm>>
      tpu.wait_dma2 semaphore(%run_scoped3A : memref<!tpu.dma_semaphore, #tpu.memory_space<semaphore_mem>>) src(%dma_wait3A_540 : memref<26x128xi32, #tpu.memory_space<hbm>>) dst(%arg5 : memref<26x128xi32, #tpu.memory_space<vmem>>)
      tpu.yield
    }) : () -> ()
    %dma_start3A = arith.constant 0 : i32
    %dma_start3A_1 = arith.constant 0 : i32
    %dma_start3A_2 = arith.constant 0 : i32
    %dma_start3A_3 = tpu.memref_slice %arg6[%dma_start3A_1, %dma_start3A_2] : memref<3328x16xf32, #tpu.memory_space<vmem>> -> memref<128x16xf32, #tpu.memory_space<vmem>>
    %dma_start3A_4 = arith.constant 0 : i32
    %dma_start3A_5 = tpu.memref_slice %arg5[%dma_start3A, %dma_start3A_4] : memref<26x128xi32, #tpu.memory_space<vmem>> -> memref<1x128xi32, #tpu.memory_space<vmem>>
    %dma_start3A_6 = tpu.memref_squeeze %dma_start3A_5 : memref<1x128xi32, #tpu.memory_space<vmem>> -> memref<128xi32, #tpu.memory_space<vmem>>
    %dma_start3A_7 = arith.constant 0 : i32
    %dma_start3A_8 = arith.constant 0 : i32
    %dma_start3A_9 = tpu.memref_slice %arg3[%dma_start3A_7, %dma_start3A_8] : memref<1000000x16xf32, #tpu.memory_space<hbm>> -> memref<1000000x16xf32, #tpu.memory_space<hbm>>
    tpu.enqueue_indirect_dma source(%dma_start3A_9 : memref<1000000x16xf32, #tpu.memory_space<hbm>>) target(%dma_start3A_3 : memref<128x16xf32, #tpu.memory_space<vmem>>) offsets(%dma_start3A_6 : memref<128xi32, #tpu.memory_space<vmem>>) semaphore(%arg8 : memref<!tpu.dma_semaphore, #tpu.memory_space<semaphore_mem>>)
    %dma_start3A_10 = arith.constant 1 : i32
    %dma_start3A_11 = arith.constant 128 : i32
    %dma_start3A_12 = arith.constant 0 : i32
    %dma_start3A_13 = tpu.memref_slice %arg6[%dma_start3A_11, %dma_start3A_12] : memref<3328x16xf32, #tpu.memory_space<vmem>> -> memref<128x16xf32, #tpu.memory_space<vmem>>
    %dma_start3A_14 = arith.constant 0 : i32
    %dma_start3A_15 = tpu.memref_slice %arg5[%dma_start3A_10, %dma_start3A_14] : memref<26x128xi32, #tpu.memory_space<vmem>> -> memref<1x128xi32, #tpu.memory_space<vmem>>
    %dma_start3A_16 = tpu.memref_squeeze %dma_start3A_15 : memref<1x128xi32, #tpu.memory_space<vmem>> -> memref<128xi32, #tpu.memory_space<vmem>>
    %dma_start3A_17 = arith.constant 0 : i32
    %dma_start3A_18 = arith.constant 0 : i32
    %dma_start3A_19 = tpu.memref_slice %arg3[%dma_start3A_17, %dma_start3A_18] : memref<1000000x16xf32, #tpu.memory_space<hbm>> -> memref<1000000x16xf32, #tpu.memory_space<hbm>>
    tpu.enqueue_indirect_dma source(%dma_start3A_19 : memref<1000000x16xf32, #tpu.memory_space<hbm>>) target(%dma_start3A_13 : memref<128x16xf32, #tpu.memory_space<vmem>>) offsets(%dma_start3A_16 : memref<128xi32, #tpu.memory_space<vmem>>) semaphore(%arg9 : memref<!tpu.dma_semaphore, #tpu.memory_space<semaphore_mem>>)
    %dma_start3A_20 = arith.constant 2 : i32
    %dma_start3A_21 = arith.constant 256 : i32
    %dma_start3A_22 = arith.constant 0 : i32
    %dma_start3A_23 = tpu.memref_slice %arg6[%dma_start3A_21, %dma_start3A_22] : memref<3328x16xf32, #tpu.memory_space<vmem>> -> memref<128x16xf32, #tpu.memory_space<vmem>>
    %dma_start3A_24 = arith.constant 0 : i32
    %dma_start3A_25 = tpu.memref_slice %arg5[%dma_start3A_20, %dma_start3A_24] : memref<26x128xi32, #tpu.memory_space<vmem>> -> memref<1x128xi32, #tpu.memory_space<vmem>>
    %dma_start3A_26 = tpu.memref_squeeze %dma_start3A_25 : memref<1x128xi32, #tpu.memory_space<vmem>> -> memref<128xi32, #tpu.memory_space<vmem>>
    %dma_start3A_27 = arith.constant 0 : i32
    %dma_start3A_28 = arith.constant 0 : i32
    %dma_start3A_29 = tpu.memref_slice %arg3[%dma_start3A_27, %dma_start3A_28] : memref<1000000x16xf32, #tpu.memory_space<hbm>> -> memref<1000000x16xf32, #tpu.memory_space<hbm>>
    tpu.enqueue_indirect_dma source(%dma_start3A_29 : memref<1000000x16xf32, #tpu.memory_space<hbm>>) target(%dma_start3A_23 : memref<128x16xf32, #tpu.memory_space<vmem>>) offsets(%dma_start3A_26 : memref<128xi32, #tpu.memory_space<vmem>>) semaphore(%arg10 : memref<!tpu.dma_semaphore, #tpu.memory_space<semaphore_mem>>)
    %dma_start3A_30 = arith.constant 3 : i32
    %dma_start3A_31 = arith.constant 384 : i32
    %dma_start3A_32 = arith.constant 0 : i32
    %dma_start3A_33 = tpu.memref_slice %arg6[%dma_start3A_31, %dma_start3A_32] : memref<3328x16xf32, #tpu.memory_space<vmem>> -> memref<128x16xf32, #tpu.memory_space<vmem>>
    %dma_start3A_34 = arith.constant 0 : i32
    %dma_start3A_35 = tpu.memref_slice %arg5[%dma_start3A_30, %dma_start3A_34] : memref<26x128xi32, #tpu.memory_space<vmem>> -> memref<1x128xi32, #tpu.memory_space<vmem>>
    %dma_start3A_36 = tpu.memref_squeeze %dma_start3A_35 : memref<1x128xi32, #tpu.memory_space<vmem>> -> memref<128xi32, #tpu.memory_space<vmem>>
    %dma_start3A_37 = arith.constant 0 : i32
    %dma_start3A_38 = arith.constant 0 : i32
    %dma_start3A_39 = tpu.memref_slice %arg3[%dma_start3A_37, %dma_start3A_38] : memref<1000000x16xf32, #tpu.memory_space<hbm>> -> memref<1000000x16xf32, #tpu.memory_space<hbm>>
    tpu.enqueue_indirect_dma source(%dma_start3A_39 : memref<1000000x16xf32, #tpu.memory_space<hbm>>) target(%dma_start3A_33 : memref<128x16xf32, #tpu.memory_space<vmem>>) offsets(%dma_start3A_36 : memref<128xi32, #tpu.memory_space<vmem>>) semaphore(%arg11 : memref<!tpu.dma_semaphore, #tpu.memory_space<semaphore_mem>>)
    %dma_start3A_40 = arith.constant 4 : i32
    %dma_start3A_41 = arith.constant 512 : i32
    %dma_start3A_42 = arith.constant 0 : i32
    %dma_start3A_43 = tpu.memref_slice %arg6[%dma_start3A_41, %dma_start3A_42] : memref<3328x16xf32, #tpu.memory_space<vmem>> -> memref<128x16xf32, #tpu.memory_space<vmem>>
    %dma_start3A_44 = arith.constant 0 : i32
    %dma_start3A_45 = tpu.memref_slice %arg5[%dma_start3A_40, %dma_start3A_44] : memref<26x128xi32, #tpu.memory_space<vmem>> -> memref<1x128xi32, #tpu.memory_space<vmem>>
    %dma_start3A_46 = tpu.memref_squeeze %dma_start3A_45 : memref<1x128xi32, #tpu.memory_space<vmem>> -> memref<128xi32, #tpu.memory_space<vmem>>
    %dma_start3A_47 = arith.constant 0 : i32
    %dma_start3A_48 = arith.constant 0 : i32
    %dma_start3A_49 = tpu.memref_slice %arg3[%dma_start3A_47, %dma_start3A_48] : memref<1000000x16xf32, #tpu.memory_space<hbm>> -> memref<1000000x16xf32, #tpu.memory_space<hbm>>
    tpu.enqueue_indirect_dma source(%dma_start3A_49 : memref<1000000x16xf32, #tpu.memory_space<hbm>>) target(%dma_start3A_43 : memref<128x16xf32, #tpu.memory_space<vmem>>) offsets(%dma_start3A_46 : memref<128xi32, #tpu.memory_space<vmem>>) semaphore(%arg12 : memref<!tpu.dma_semaphore, #tpu.memory_space<semaphore_mem>>)
    %dma_start3A_50 = arith.constant 5 : i32
    %dma_start3A_51 = arith.constant 640 : i32
    %dma_start3A_52 = arith.constant 0 : i32
    %dma_start3A_53 = tpu.memref_slice %arg6[%dma_start3A_51, %dma_start3A_52] : memref<3328x16xf32, #tpu.memory_space<vmem>> -> memref<128x16xf32, #tpu.memory_space<vmem>>
    %dma_start3A_54 = arith.constant 0 : i32
    %dma_start3A_55 = tpu.memref_slice %arg5[%dma_start3A_50, %dma_start3A_54] : memref<26x128xi32, #tpu.memory_space<vmem>> -> memref<1x128xi32, #tpu.memory_space<vmem>>
    %dma_start3A_56 = tpu.memref_squeeze %dma_start3A_55 : memref<1x128xi32, #tpu.memory_space<vmem>> -> memref<128xi32, #tpu.memory_space<vmem>>
    %dma_start3A_57 = arith.constant 0 : i32
    %dma_start3A_58 = arith.constant 0 : i32
    %dma_start3A_59 = tpu.memref_slice %arg3[%dma_start3A_57, %dma_start3A_58] : memref<1000000x16xf32, #tpu.memory_space<hbm>> -> memref<1000000x16xf32, #tpu.memory_space<hbm>>
    tpu.enqueue_indirect_dma source(%dma_start3A_59 : memref<1000000x16xf32, #tpu.memory_space<hbm>>) target(%dma_start3A_53 : memref<128x16xf32, #tpu.memory_space<vmem>>) offsets(%dma_start3A_56 : memref<128xi32, #tpu.memory_space<vmem>>) semaphore(%arg13 : memref<!tpu.dma_semaphore, #tpu.memory_space<semaphore_mem>>)
    %dma_start3A_60 = arith.constant 6 : i32
    %dma_start3A_61 = arith.constant 768 : i32
    %dma_start3A_62 = arith.constant 0 : i32
    %dma_start3A_63 = tpu.memref_slice %arg6[%dma_start3A_61, %dma_start3A_62] : memref<3328x16xf32, #tpu.memory_space<vmem>> -> memref<128x16xf32, #tpu.memory_space<vmem>>
    %dma_start3A_64 = arith.constant 0 : i32
    %dma_start3A_65 = tpu.memref_slice %arg5[%dma_start3A_60, %dma_start3A_64] : memref<26x128xi32, #tpu.memory_space<vmem>> -> memref<1x128xi32, #tpu.memory_space<vmem>>
    %dma_start3A_66 = tpu.memref_squeeze %dma_start3A_65 : memref<1x128xi32, #tpu.memory_space<vmem>> -> memref<128xi32, #tpu.memory_space<vmem>>
    %dma_start3A_67 = arith.constant 0 : i32
    %dma_start3A_68 = arith.constant 0 : i32
    %dma_start3A_69 = tpu.memref_slice %arg3[%dma_start3A_67, %dma_start3A_68] : memref<1000000x16xf32, #tpu.memory_space<hbm>> -> memref<1000000x16xf32, #tpu.memory_space<hbm>>
    tpu.enqueue_indirect_dma source(%dma_start3A_69 : memref<1000000x16xf32, #tpu.memory_space<hbm>>) target(%dma_start3A_63 : memref<128x16xf32, #tpu.memory_space<vmem>>) offsets(%dma_start3A_66 : memref<128xi32, #tpu.memory_space<vmem>>) semaphore(%arg14 : memref<!tpu.dma_semaphore, #tpu.memory_space<semaphore_mem>>)
    %dma_start3A_70 = arith.constant 7 : i32
    %dma_start3A_71 = arith.constant 896 : i32
    %dma_start3A_72 = arith.constant 0 : i32
    %dma_start3A_73 = tpu.memref_slice %arg6[%dma_start3A_71, %dma_start3A_72] : memref<3328x16xf32, #tpu.memory_space<vmem>> -> memref<128x16xf32, #tpu.memory_space<vmem>>
    %dma_start3A_74 = arith.constant 0 : i32
    %dma_start3A_75 = tpu.memref_slice %arg5[%dma_start3A_70, %dma_start3A_74] : memref<26x128xi32, #tpu.memory_space<vmem>> -> memref<1x128xi32, #tpu.memory_space<vmem>>
    %dma_start3A_76 = tpu.memref_squeeze %dma_start3A_75 : memref<1x128xi32, #tpu.memory_space<vmem>> -> memref<128xi32, #tpu.memory_space<vmem>>
    %dma_start3A_77 = arith.constant 0 : i32
    %dma_start3A_78 = arith.constant 0 : i32
    %dma_start3A_79 = tpu.memref_slice %arg3[%dma_start3A_77, %dma_start3A_78] : memref<1000000x16xf32, #tpu.memory_space<hbm>> -> memref<1000000x16xf32, #tpu.memory_space<hbm>>
    tpu.enqueue_indirect_dma source(%dma_start3A_79 : memref<1000000x16xf32, #tpu.memory_space<hbm>>) target(%dma_start3A_73 : memref<128x16xf32, #tpu.memory_space<vmem>>) offsets(%dma_start3A_76 : memref<128xi32, #tpu.memory_space<vmem>>) semaphore(%arg15 : memref<!tpu.dma_semaphore, #tpu.memory_space<semaphore_mem>>)
    %dma_start3A_80 = arith.constant 8 : i32
    %dma_start3A_81 = arith.constant 1024 : i32
    %dma_start3A_82 = arith.constant 0 : i32
    %dma_start3A_83 = tpu.memref_slice %arg6[%dma_start3A_81, %dma_start3A_82] : memref<3328x16xf32, #tpu.memory_space<vmem>> -> memref<128x16xf32, #tpu.memory_space<vmem>>
    %dma_start3A_84 = arith.constant 0 : i32
    %dma_start3A_85 = tpu.memref_slice %arg5[%dma_start3A_80, %dma_start3A_84] : memref<26x128xi32, #tpu.memory_space<vmem>> -> memref<1x128xi32, #tpu.memory_space<vmem>>
    %dma_start3A_86 = tpu.memref_squeeze %dma_start3A_85 : memref<1x128xi32, #tpu.memory_space<vmem>> -> memref<128xi32, #tpu.memory_space<vmem>>
    %dma_start3A_87 = arith.constant 0 : i32
    %dma_start3A_88 = arith.constant 0 : i32
    %dma_start3A_89 = tpu.memref_slice %arg3[%dma_start3A_87, %dma_start3A_88] : memref<1000000x16xf32, #tpu.memory_space<hbm>> -> memref<1000000x16xf32, #tpu.memory_space<hbm>>
    tpu.enqueue_indirect_dma source(%dma_start3A_89 : memref<1000000x16xf32, #tpu.memory_space<hbm>>) target(%dma_start3A_83 : memref<128x16xf32, #tpu.memory_space<vmem>>) offsets(%dma_start3A_86 : memref<128xi32, #tpu.memory_space<vmem>>) semaphore(%arg8 : memref<!tpu.dma_semaphore, #tpu.memory_space<semaphore_mem>>)
    %dma_start3A_90 = arith.constant 9 : i32
    %dma_start3A_91 = arith.constant 1152 : i32
    %dma_start3A_92 = arith.constant 0 : i32
    %dma_start3A_93 = tpu.memref_slice %arg6[%dma_start3A_91, %dma_start3A_92] : memref<3328x16xf32, #tpu.memory_space<vmem>> -> memref<128x16xf32, #tpu.memory_space<vmem>>
    %dma_start3A_94 = arith.constant 0 : i32
    %dma_start3A_95 = tpu.memref_slice %arg5[%dma_start3A_90, %dma_start3A_94] : memref<26x128xi32, #tpu.memory_space<vmem>> -> memref<1x128xi32, #tpu.memory_space<vmem>>
    %dma_start3A_96 = tpu.memref_squeeze %dma_start3A_95 : memref<1x128xi32, #tpu.memory_space<vmem>> -> memref<128xi32, #tpu.memory_space<vmem>>
    %dma_start3A_97 = arith.constant 0 : i32
    %dma_start3A_98 = arith.constant 0 : i32
    %dma_start3A_99 = tpu.memref_slice %arg3[%dma_start3A_97, %dma_start3A_98] : memref<1000000x16xf32, #tpu.memory_space<hbm>> -> memref<1000000x16xf32, #tpu.memory_space<hbm>>
    tpu.enqueue_indirect_dma source(%dma_start3A_99 : memref<1000000x16xf32, #tpu.memory_space<hbm>>) target(%dma_start3A_93 : memref<128x16xf32, #tpu.memory_space<vmem>>) offsets(%dma_start3A_96 : memref<128xi32, #tpu.memory_space<vmem>>) semaphore(%arg9 : memref<!tpu.dma_semaphore, #tpu.memory_space<semaphore_mem>>)
    %dma_start3A_100 = arith.constant 10 : i32
    %dma_start3A_101 = arith.constant 1280 : i32
    %dma_start3A_102 = arith.constant 0 : i32
    %dma_start3A_103 = tpu.memref_slice %arg6[%dma_start3A_101, %dma_start3A_102] : memref<3328x16xf32, #tpu.memory_space<vmem>> -> memref<128x16xf32, #tpu.memory_space<vmem>>
    %dma_start3A_104 = arith.constant 0 : i32
    %dma_start3A_105 = tpu.memref_slice %arg5[%dma_start3A_100, %dma_start3A_104] : memref<26x128xi32, #tpu.memory_space<vmem>> -> memref<1x128xi32, #tpu.memory_space<vmem>>
    %dma_start3A_106 = tpu.memref_squeeze %dma_start3A_105 : memref<1x128xi32, #tpu.memory_space<vmem>> -> memref<128xi32, #tpu.memory_space<vmem>>
    %dma_start3A_107 = arith.constant 0 : i32
    %dma_start3A_108 = arith.constant 0 : i32
    %dma_start3A_109 = tpu.memref_slice %arg3[%dma_start3A_107, %dma_start3A_108] : memref<1000000x16xf32, #tpu.memory_space<hbm>> -> memref<1000000x16xf32, #tpu.memory_space<hbm>>
    tpu.enqueue_indirect_dma source(%dma_start3A_109 : memref<1000000x16xf32, #tpu.memory_space<hbm>>) target(%dma_start3A_103 : memref<128x16xf32, #tpu.memory_space<vmem>>) offsets(%dma_start3A_106 : memref<128xi32, #tpu.memory_space<vmem>>) semaphore(%arg10 : memref<!tpu.dma_semaphore, #tpu.memory_space<semaphore_mem>>)
    %dma_start3A_110 = arith.constant 11 : i32
    %dma_start3A_111 = arith.constant 1408 : i32
    %dma_start3A_112 = arith.constant 0 : i32
    %dma_start3A_113 = tpu.memref_slice %arg6[%dma_start3A_111, %dma_start3A_112] : memref<3328x16xf32, #tpu.memory_space<vmem>> -> memref<128x16xf32, #tpu.memory_space<vmem>>
    %dma_start3A_114 = arith.constant 0 : i32
    %dma_start3A_115 = tpu.memref_slice %arg5[%dma_start3A_110, %dma_start3A_114] : memref<26x128xi32, #tpu.memory_space<vmem>> -> memref<1x128xi32, #tpu.memory_space<vmem>>
    %dma_start3A_116 = tpu.memref_squeeze %dma_start3A_115 : memref<1x128xi32, #tpu.memory_space<vmem>> -> memref<128xi32, #tpu.memory_space<vmem>>
    %dma_start3A_117 = arith.constant 0 : i32
    %dma_start3A_118 = arith.constant 0 : i32
    %dma_start3A_119 = tpu.memref_slice %arg3[%dma_start3A_117, %dma_start3A_118] : memref<1000000x16xf32, #tpu.memory_space<hbm>> -> memref<1000000x16xf32, #tpu.memory_space<hbm>>
    tpu.enqueue_indirect_dma source(%dma_start3A_119 : memref<1000000x16xf32, #tpu.memory_space<hbm>>) target(%dma_start3A_113 : memref<128x16xf32, #tpu.memory_space<vmem>>) offsets(%dma_start3A_116 : memref<128xi32, #tpu.memory_space<vmem>>) semaphore(%arg11 : memref<!tpu.dma_semaphore, #tpu.memory_space<semaphore_mem>>)
    %dma_start3A_120 = arith.constant 12 : i32
    %dma_start3A_121 = arith.constant 1536 : i32
    %dma_start3A_122 = arith.constant 0 : i32
    %dma_start3A_123 = tpu.memref_slice %arg6[%dma_start3A_121, %dma_start3A_122] : memref<3328x16xf32, #tpu.memory_space<vmem>> -> memref<128x16xf32, #tpu.memory_space<vmem>>
    %dma_start3A_124 = arith.constant 0 : i32
    %dma_start3A_125 = tpu.memref_slice %arg5[%dma_start3A_120, %dma_start3A_124] : memref<26x128xi32, #tpu.memory_space<vmem>> -> memref<1x128xi32, #tpu.memory_space<vmem>>
    %dma_start3A_126 = tpu.memref_squeeze %dma_start3A_125 : memref<1x128xi32, #tpu.memory_space<vmem>> -> memref<128xi32, #tpu.memory_space<vmem>>
    %dma_start3A_127 = arith.constant 0 : i32
    %dma_start3A_128 = arith.constant 0 : i32
    %dma_start3A_129 = tpu.memref_slice %arg3[%dma_start3A_127, %dma_start3A_128] : memref<1000000x16xf32, #tpu.memory_space<hbm>> -> memref<1000000x16xf32, #tpu.memory_space<hbm>>
    tpu.enqueue_indirect_dma source(%dma_start3A_129 : memref<1000000x16xf32, #tpu.memory_space<hbm>>) target(%dma_start3A_123 : memref<128x16xf32, #tpu.memory_space<vmem>>) offsets(%dma_start3A_126 : memref<128xi32, #tpu.memory_space<vmem>>) semaphore(%arg12 : memref<!tpu.dma_semaphore, #tpu.memory_space<semaphore_mem>>)
    %dma_start3A_130 = arith.constant 13 : i32
    %dma_start3A_131 = arith.constant 1664 : i32
    %dma_start3A_132 = arith.constant 0 : i32
    %dma_start3A_133 = tpu.memref_slice %arg6[%dma_start3A_131, %dma_start3A_132] : memref<3328x16xf32, #tpu.memory_space<vmem>> -> memref<128x16xf32, #tpu.memory_space<vmem>>
    %dma_start3A_134 = arith.constant 0 : i32
    %dma_start3A_135 = tpu.memref_slice %arg5[%dma_start3A_130, %dma_start3A_134] : memref<26x128xi32, #tpu.memory_space<vmem>> -> memref<1x128xi32, #tpu.memory_space<vmem>>
    %dma_start3A_136 = tpu.memref_squeeze %dma_start3A_135 : memref<1x128xi32, #tpu.memory_space<vmem>> -> memref<128xi32, #tpu.memory_space<vmem>>
    %dma_start3A_137 = arith.constant 0 : i32
    %dma_start3A_138 = arith.constant 0 : i32
    %dma_start3A_139 = tpu.memref_slice %arg3[%dma_start3A_137, %dma_start3A_138] : memref<1000000x16xf32, #tpu.memory_space<hbm>> -> memref<1000000x16xf32, #tpu.memory_space<hbm>>
    tpu.enqueue_indirect_dma source(%dma_start3A_139 : memref<1000000x16xf32, #tpu.memory_space<hbm>>) target(%dma_start3A_133 : memref<128x16xf32, #tpu.memory_space<vmem>>) offsets(%dma_start3A_136 : memref<128xi32, #tpu.memory_space<vmem>>) semaphore(%arg13 : memref<!tpu.dma_semaphore, #tpu.memory_space<semaphore_mem>>)
    %dma_start3A_140 = arith.constant 14 : i32
    %dma_start3A_141 = arith.constant 1792 : i32
    %dma_start3A_142 = arith.constant 0 : i32
    %dma_start3A_143 = tpu.memref_slice %arg6[%dma_start3A_141, %dma_start3A_142] : memref<3328x16xf32, #tpu.memory_space<vmem>> -> memref<128x16xf32, #tpu.memory_space<vmem>>
    %dma_start3A_144 = arith.constant 0 : i32
    %dma_start3A_145 = tpu.memref_slice %arg5[%dma_start3A_140, %dma_start3A_144] : memref<26x128xi32, #tpu.memory_space<vmem>> -> memref<1x128xi32, #tpu.memory_space<vmem>>
    %dma_start3A_146 = tpu.memref_squeeze %dma_start3A_145 : memref<1x128xi32, #tpu.memory_space<vmem>> -> memref<128xi32, #tpu.memory_space<vmem>>
    %dma_start3A_147 = arith.constant 0 : i32
    %dma_start3A_148 = arith.constant 0 : i32
    %dma_start3A_149 = tpu.memref_slice %arg3[%dma_start3A_147, %dma_start3A_148] : memref<1000000x16xf32, #tpu.memory_space<hbm>> -> memref<1000000x16xf32, #tpu.memory_space<hbm>>
    tpu.enqueue_indirect_dma source(%dma_start3A_149 : memref<1000000x16xf32, #tpu.memory_space<hbm>>) target(%dma_start3A_143 : memref<128x16xf32, #tpu.memory_space<vmem>>) offsets(%dma_start3A_146 : memref<128xi32, #tpu.memory_space<vmem>>) semaphore(%arg14 : memref<!tpu.dma_semaphore, #tpu.memory_space<semaphore_mem>>)
    %dma_start3A_150 = arith.constant 15 : i32
    %dma_start3A_151 = arith.constant 1920 : i32
    %dma_start3A_152 = arith.constant 0 : i32
    %dma_start3A_153 = tpu.memref_slice %arg6[%dma_start3A_151, %dma_start3A_152] : memref<3328x16xf32, #tpu.memory_space<vmem>> -> memref<128x16xf32, #tpu.memory_space<vmem>>
    %dma_start3A_154 = arith.constant 0 : i32
    %dma_start3A_155 = tpu.memref_slice %arg5[%dma_start3A_150, %dma_start3A_154] : memref<26x128xi32, #tpu.memory_space<vmem>> -> memref<1x128xi32, #tpu.memory_space<vmem>>
    %dma_start3A_156 = tpu.memref_squeeze %dma_start3A_155 : memref<1x128xi32, #tpu.memory_space<vmem>> -> memref<128xi32, #tpu.memory_space<vmem>>
    %dma_start3A_157 = arith.constant 0 : i32
    %dma_start3A_158 = arith.constant 0 : i32
    %dma_start3A_159 = tpu.memref_slice %arg3[%dma_start3A_157, %dma_start3A_158] : memref<1000000x16xf32, #tpu.memory_space<hbm>> -> memref<1000000x16xf32, #tpu.memory_space<hbm>>
    tpu.enqueue_indirect_dma source(%dma_start3A_159 : memref<1000000x16xf32, #tpu.memory_space<hbm>>) target(%dma_start3A_153 : memref<128x16xf32, #tpu.memory_space<vmem>>) offsets(%dma_start3A_156 : memref<128xi32, #tpu.memory_space<vmem>>) semaphore(%arg15 : memref<!tpu.dma_semaphore, #tpu.memory_space<semaphore_mem>>)
    %dma_start3A_160 = arith.constant 16 : i32
    %dma_start3A_161 = arith.constant 2048 : i32
    %dma_start3A_162 = arith.constant 0 : i32
    %dma_start3A_163 = tpu.memref_slice %arg6[%dma_start3A_161, %dma_start3A_162] : memref<3328x16xf32, #tpu.memory_space<vmem>> -> memref<128x16xf32, #tpu.memory_space<vmem>>
    %dma_start3A_164 = arith.constant 0 : i32
    %dma_start3A_165 = tpu.memref_slice %arg5[%dma_start3A_160, %dma_start3A_164] : memref<26x128xi32, #tpu.memory_space<vmem>> -> memref<1x128xi32, #tpu.memory_space<vmem>>
    %dma_start3A_166 = tpu.memref_squeeze %dma_start3A_165 : memref<1x128xi32, #tpu.memory_space<vmem>> -> memref<128xi32, #tpu.memory_space<vmem>>
    %dma_start3A_167 = arith.constant 0 : i32
    %dma_start3A_168 = arith.constant 0 : i32
    %dma_start3A_169 = tpu.memref_slice %arg3[%dma_start3A_167, %dma_start3A_168] : memref<1000000x16xf32, #tpu.memory_space<hbm>> -> memref<1000000x16xf32, #tpu.memory_space<hbm>>
    tpu.enqueue_indirect_dma source(%dma_start3A_169 : memref<1000000x16xf32, #tpu.memory_space<hbm>>) target(%dma_start3A_163 : memref<128x16xf32, #tpu.memory_space<vmem>>) offsets(%dma_start3A_166 : memref<128xi32, #tpu.memory_space<vmem>>) semaphore(%arg8 : memref<!tpu.dma_semaphore, #tpu.memory_space<semaphore_mem>>)
    %dma_start3A_170 = arith.constant 17 : i32
    %dma_start3A_171 = arith.constant 2176 : i32
    %dma_start3A_172 = arith.constant 0 : i32
    %dma_start3A_173 = tpu.memref_slice %arg6[%dma_start3A_171, %dma_start3A_172] : memref<3328x16xf32, #tpu.memory_space<vmem>> -> memref<128x16xf32, #tpu.memory_space<vmem>>
    %dma_start3A_174 = arith.constant 0 : i32
    %dma_start3A_175 = tpu.memref_slice %arg5[%dma_start3A_170, %dma_start3A_174] : memref<26x128xi32, #tpu.memory_space<vmem>> -> memref<1x128xi32, #tpu.memory_space<vmem>>
    %dma_start3A_176 = tpu.memref_squeeze %dma_start3A_175 : memref<1x128xi32, #tpu.memory_space<vmem>> -> memref<128xi32, #tpu.memory_space<vmem>>
    %dma_start3A_177 = arith.constant 0 : i32
    %dma_start3A_178 = arith.constant 0 : i32
    %dma_start3A_179 = tpu.memref_slice %arg3[%dma_start3A_177, %dma_start3A_178] : memref<1000000x16xf32, #tpu.memory_space<hbm>> -> memref<1000000x16xf32, #tpu.memory_space<hbm>>
    tpu.enqueue_indirect_dma source(%dma_start3A_179 : memref<1000000x16xf32, #tpu.memory_space<hbm>>) target(%dma_start3A_173 : memref<128x16xf32, #tpu.memory_space<vmem>>) offsets(%dma_start3A_176 : memref<128xi32, #tpu.memory_space<vmem>>) semaphore(%arg9 : memref<!tpu.dma_semaphore, #tpu.memory_space<semaphore_mem>>)
    %dma_start3A_180 = arith.constant 18 : i32
    %dma_start3A_181 = arith.constant 2304 : i32
    %dma_start3A_182 = arith.constant 0 : i32
    %dma_start3A_183 = tpu.memref_slice %arg6[%dma_start3A_181, %dma_start3A_182] : memref<3328x16xf32, #tpu.memory_space<vmem>> -> memref<128x16xf32, #tpu.memory_space<vmem>>
    %dma_start3A_184 = arith.constant 0 : i32
    %dma_start3A_185 = tpu.memref_slice %arg5[%dma_start3A_180, %dma_start3A_184] : memref<26x128xi32, #tpu.memory_space<vmem>> -> memref<1x128xi32, #tpu.memory_space<vmem>>
    %dma_start3A_186 = tpu.memref_squeeze %dma_start3A_185 : memref<1x128xi32, #tpu.memory_space<vmem>> -> memref<128xi32, #tpu.memory_space<vmem>>
    %dma_start3A_187 = arith.constant 0 : i32
    %dma_start3A_188 = arith.constant 0 : i32
    %dma_start3A_189 = tpu.memref_slice %arg3[%dma_start3A_187, %dma_start3A_188] : memref<1000000x16xf32, #tpu.memory_space<hbm>> -> memref<1000000x16xf32, #tpu.memory_space<hbm>>
    tpu.enqueue_indirect_dma source(%dma_start3A_189 : memref<1000000x16xf32, #tpu.memory_space<hbm>>) target(%dma_start3A_183 : memref<128x16xf32, #tpu.memory_space<vmem>>) offsets(%dma_start3A_186 : memref<128xi32, #tpu.memory_space<vmem>>) semaphore(%arg10 : memref<!tpu.dma_semaphore, #tpu.memory_space<semaphore_mem>>)
    %dma_start3A_190 = arith.constant 19 : i32
    %dma_start3A_191 = arith.constant 2432 : i32
    %dma_start3A_192 = arith.constant 0 : i32
    %dma_start3A_193 = tpu.memref_slice %arg6[%dma_start3A_191, %dma_start3A_192] : memref<3328x16xf32, #tpu.memory_space<vmem>> -> memref<128x16xf32, #tpu.memory_space<vmem>>
    %dma_start3A_194 = arith.constant 0 : i32
    %dma_start3A_195 = tpu.memref_slice %arg5[%dma_start3A_190, %dma_start3A_194] : memref<26x128xi32, #tpu.memory_space<vmem>> -> memref<1x128xi32, #tpu.memory_space<vmem>>
    %dma_start3A_196 = tpu.memref_squeeze %dma_start3A_195 : memref<1x128xi32, #tpu.memory_space<vmem>> -> memref<128xi32, #tpu.memory_space<vmem>>
    %dma_start3A_197 = arith.constant 0 : i32
    %dma_start3A_198 = arith.constant 0 : i32
    %dma_start3A_199 = tpu.memref_slice %arg3[%dma_start3A_197, %dma_start3A_198] : memref<1000000x16xf32, #tpu.memory_space<hbm>> -> memref<1000000x16xf32, #tpu.memory_space<hbm>>
    tpu.enqueue_indirect_dma source(%dma_start3A_199 : memref<1000000x16xf32, #tpu.memory_space<hbm>>) target(%dma_start3A_193 : memref<128x16xf32, #tpu.memory_space<vmem>>) offsets(%dma_start3A_196 : memref<128xi32, #tpu.memory_space<vmem>>) semaphore(%arg11 : memref<!tpu.dma_semaphore, #tpu.memory_space<semaphore_mem>>)
    %dma_start3A_200 = arith.constant 20 : i32
    %dma_start3A_201 = arith.constant 2560 : i32
    %dma_start3A_202 = arith.constant 0 : i32
    %dma_start3A_203 = tpu.memref_slice %arg6[%dma_start3A_201, %dma_start3A_202] : memref<3328x16xf32, #tpu.memory_space<vmem>> -> memref<128x16xf32, #tpu.memory_space<vmem>>
    %dma_start3A_204 = arith.constant 0 : i32
    %dma_start3A_205 = tpu.memref_slice %arg5[%dma_start3A_200, %dma_start3A_204] : memref<26x128xi32, #tpu.memory_space<vmem>> -> memref<1x128xi32, #tpu.memory_space<vmem>>
    %dma_start3A_206 = tpu.memref_squeeze %dma_start3A_205 : memref<1x128xi32, #tpu.memory_space<vmem>> -> memref<128xi32, #tpu.memory_space<vmem>>
    %dma_start3A_207 = arith.constant 0 : i32
    %dma_start3A_208 = arith.constant 0 : i32
    %dma_start3A_209 = tpu.memref_slice %arg3[%dma_start3A_207, %dma_start3A_208] : memref<1000000x16xf32, #tpu.memory_space<hbm>> -> memref<1000000x16xf32, #tpu.memory_space<hbm>>
    tpu.enqueue_indirect_dma source(%dma_start3A_209 : memref<1000000x16xf32, #tpu.memory_space<hbm>>) target(%dma_start3A_203 : memref<128x16xf32, #tpu.memory_space<vmem>>) offsets(%dma_start3A_206 : memref<128xi32, #tpu.memory_space<vmem>>) semaphore(%arg12 : memref<!tpu.dma_semaphore, #tpu.memory_space<semaphore_mem>>)
    %dma_start3A_210 = arith.constant 21 : i32
    %dma_start3A_211 = arith.constant 2688 : i32
    %dma_start3A_212 = arith.constant 0 : i32
    %dma_start3A_213 = tpu.memref_slice %arg6[%dma_start3A_211, %dma_start3A_212] : memref<3328x16xf32, #tpu.memory_space<vmem>> -> memref<128x16xf32, #tpu.memory_space<vmem>>
    %dma_start3A_214 = arith.constant 0 : i32
    %dma_start3A_215 = tpu.memref_slice %arg5[%dma_start3A_210, %dma_start3A_214] : memref<26x128xi32, #tpu.memory_space<vmem>> -> memref<1x128xi32, #tpu.memory_space<vmem>>
    %dma_start3A_216 = tpu.memref_squeeze %dma_start3A_215 : memref<1x128xi32, #tpu.memory_space<vmem>> -> memref<128xi32, #tpu.memory_space<vmem>>
    %dma_start3A_217 = arith.constant 0 : i32
    %dma_start3A_218 = arith.constant 0 : i32
    %dma_start3A_219 = tpu.memref_slice %arg3[%dma_start3A_217, %dma_start3A_218] : memref<1000000x16xf32, #tpu.memory_space<hbm>> -> memref<1000000x16xf32, #tpu.memory_space<hbm>>
    tpu.enqueue_indirect_dma source(%dma_start3A_219 : memref<1000000x16xf32, #tpu.memory_space<hbm>>) target(%dma_start3A_213 : memref<128x16xf32, #tpu.memory_space<vmem>>) offsets(%dma_start3A_216 : memref<128xi32, #tpu.memory_space<vmem>>) semaphore(%arg13 : memref<!tpu.dma_semaphore, #tpu.memory_space<semaphore_mem>>)
    %dma_start3A_220 = arith.constant 22 : i32
    %dma_start3A_221 = arith.constant 2816 : i32
    %dma_start3A_222 = arith.constant 0 : i32
    %dma_start3A_223 = tpu.memref_slice %arg6[%dma_start3A_221, %dma_start3A_222] : memref<3328x16xf32, #tpu.memory_space<vmem>> -> memref<128x16xf32, #tpu.memory_space<vmem>>
    %dma_start3A_224 = arith.constant 0 : i32
    %dma_start3A_225 = tpu.memref_slice %arg5[%dma_start3A_220, %dma_start3A_224] : memref<26x128xi32, #tpu.memory_space<vmem>> -> memref<1x128xi32, #tpu.memory_space<vmem>>
    %dma_start3A_226 = tpu.memref_squeeze %dma_start3A_225 : memref<1x128xi32, #tpu.memory_space<vmem>> -> memref<128xi32, #tpu.memory_space<vmem>>
    %dma_start3A_227 = arith.constant 0 : i32
    %dma_start3A_228 = arith.constant 0 : i32
    %dma_start3A_229 = tpu.memref_slice %arg3[%dma_start3A_227, %dma_start3A_228] : memref<1000000x16xf32, #tpu.memory_space<hbm>> -> memref<1000000x16xf32, #tpu.memory_space<hbm>>
    tpu.enqueue_indirect_dma source(%dma_start3A_229 : memref<1000000x16xf32, #tpu.memory_space<hbm>>) target(%dma_start3A_223 : memref<128x16xf32, #tpu.memory_space<vmem>>) offsets(%dma_start3A_226 : memref<128xi32, #tpu.memory_space<vmem>>) semaphore(%arg14 : memref<!tpu.dma_semaphore, #tpu.memory_space<semaphore_mem>>)
    %dma_start3A_230 = arith.constant 23 : i32
    %dma_start3A_231 = arith.constant 2944 : i32
    %dma_start3A_232 = arith.constant 0 : i32
    %dma_start3A_233 = tpu.memref_slice %arg6[%dma_start3A_231, %dma_start3A_232] : memref<3328x16xf32, #tpu.memory_space<vmem>> -> memref<128x16xf32, #tpu.memory_space<vmem>>
    %dma_start3A_234 = arith.constant 0 : i32
    %dma_start3A_235 = tpu.memref_slice %arg5[%dma_start3A_230, %dma_start3A_234] : memref<26x128xi32, #tpu.memory_space<vmem>> -> memref<1x128xi32, #tpu.memory_space<vmem>>
    %dma_start3A_236 = tpu.memref_squeeze %dma_start3A_235 : memref<1x128xi32, #tpu.memory_space<vmem>> -> memref<128xi32, #tpu.memory_space<vmem>>
    %dma_start3A_237 = arith.constant 0 : i32
    %dma_start3A_238 = arith.constant 0 : i32
    %dma_start3A_239 = tpu.memref_slice %arg3[%dma_start3A_237, %dma_start3A_238] : memref<1000000x16xf32, #tpu.memory_space<hbm>> -> memref<1000000x16xf32, #tpu.memory_space<hbm>>
    tpu.enqueue_indirect_dma source(%dma_start3A_239 : memref<1000000x16xf32, #tpu.memory_space<hbm>>) target(%dma_start3A_233 : memref<128x16xf32, #tpu.memory_space<vmem>>) offsets(%dma_start3A_236 : memref<128xi32, #tpu.memory_space<vmem>>) semaphore(%arg15 : memref<!tpu.dma_semaphore, #tpu.memory_space<semaphore_mem>>)
    %dma_start3A_240 = arith.constant 24 : i32
    %dma_start3A_241 = arith.constant 3072 : i32
    %dma_start3A_242 = arith.constant 0 : i32
    %dma_start3A_243 = tpu.memref_slice %arg6[%dma_start3A_241, %dma_start3A_242] : memref<3328x16xf32, #tpu.memory_space<vmem>> -> memref<128x16xf32, #tpu.memory_space<vmem>>
    %dma_start3A_244 = arith.constant 0 : i32
    %dma_start3A_245 = tpu.memref_slice %arg5[%dma_start3A_240, %dma_start3A_244] : memref<26x128xi32, #tpu.memory_space<vmem>> -> memref<1x128xi32, #tpu.memory_space<vmem>>
    %dma_start3A_246 = tpu.memref_squeeze %dma_start3A_245 : memref<1x128xi32, #tpu.memory_space<vmem>> -> memref<128xi32, #tpu.memory_space<vmem>>
    %dma_start3A_247 = arith.constant 0 : i32
    %dma_start3A_248 = arith.constant 0 : i32
    %dma_start3A_249 = tpu.memref_slice %arg3[%dma_start3A_247, %dma_start3A_248] : memref<1000000x16xf32, #tpu.memory_space<hbm>> -> memref<1000000x16xf32, #tpu.memory_space<hbm>>
    tpu.enqueue_indirect_dma source(%dma_start3A_249 : memref<1000000x16xf32, #tpu.memory_space<hbm>>) target(%dma_start3A_243 : memref<128x16xf32, #tpu.memory_space<vmem>>) offsets(%dma_start3A_246 : memref<128xi32, #tpu.memory_space<vmem>>) semaphore(%arg8 : memref<!tpu.dma_semaphore, #tpu.memory_space<semaphore_mem>>)
    %dma_start3A_250 = arith.constant 25 : i32
    %dma_start3A_251 = arith.constant 3200 : i32
    %dma_start3A_252 = arith.constant 0 : i32
    %dma_start3A_253 = tpu.memref_slice %arg6[%dma_start3A_251, %dma_start3A_252] : memref<3328x16xf32, #tpu.memory_space<vmem>> -> memref<128x16xf32, #tpu.memory_space<vmem>>
    %dma_start3A_254 = arith.constant 0 : i32
    %dma_start3A_255 = tpu.memref_slice %arg5[%dma_start3A_250, %dma_start3A_254] : memref<26x128xi32, #tpu.memory_space<vmem>> -> memref<1x128xi32, #tpu.memory_space<vmem>>
    %dma_start3A_256 = tpu.memref_squeeze %dma_start3A_255 : memref<1x128xi32, #tpu.memory_space<vmem>> -> memref<128xi32, #tpu.memory_space<vmem>>
    %dma_start3A_257 = arith.constant 0 : i32
    %dma_start3A_258 = arith.constant 0 : i32
    %dma_start3A_259 = tpu.memref_slice %arg3[%dma_start3A_257, %dma_start3A_258] : memref<1000000x16xf32, #tpu.memory_space<hbm>> -> memref<1000000x16xf32, #tpu.memory_space<hbm>>
    tpu.enqueue_indirect_dma source(%dma_start3A_259 : memref<1000000x16xf32, #tpu.memory_space<hbm>>) target(%dma_start3A_253 : memref<128x16xf32, #tpu.memory_space<vmem>>) offsets(%dma_start3A_256 : memref<128xi32, #tpu.memory_space<vmem>>) semaphore(%arg9 : memref<!tpu.dma_semaphore, #tpu.memory_space<semaphore_mem>>)
    %dma_wait3A = arith.constant 0 : i32
    %dma_wait3A_260 = arith.constant 0 : i32
    %dma_wait3A_261 = arith.constant 0 : i32
    %dma_wait3A_262 = tpu.memref_slice %arg6[%dma_wait3A_260, %dma_wait3A_261] : memref<3328x16xf32, #tpu.memory_space<vmem>> -> memref<128x16xf32, #tpu.memory_space<vmem>>
    %dma_wait3A_263 = arith.constant 0 : i32
    %dma_wait3A_264 = tpu.memref_slice %arg5[%dma_wait3A, %dma_wait3A_263] : memref<26x128xi32, #tpu.memory_space<vmem>> -> memref<1x128xi32, #tpu.memory_space<vmem>>
    %dma_wait3A_265 = tpu.memref_squeeze %dma_wait3A_264 : memref<1x128xi32, #tpu.memory_space<vmem>> -> memref<128xi32, #tpu.memory_space<vmem>>
    %dma_wait3A_266 = arith.constant 0 : i32
    %dma_wait3A_267 = arith.constant 0 : i32
    %dma_wait3A_268 = tpu.memref_slice %arg3[%dma_wait3A_266, %dma_wait3A_267] : memref<1000000x16xf32, #tpu.memory_space<hbm>> -> memref<1000000x16xf32, #tpu.memory_space<hbm>>
    tpu.wait_indirect_dma semaphore(%arg8 : memref<!tpu.dma_semaphore, #tpu.memory_space<semaphore_mem>>) src(%dma_wait3A_268 : memref<1000000x16xf32, #tpu.memory_space<hbm>>) dst(%dma_wait3A_262 : memref<128x16xf32, #tpu.memory_space<vmem>>)
    %dma_wait3A_269 = arith.constant 1 : i32
    %dma_wait3A_270 = arith.constant 128 : i32
    %dma_wait3A_271 = arith.constant 0 : i32
    %dma_wait3A_272 = tpu.memref_slice %arg6[%dma_wait3A_270, %dma_wait3A_271] : memref<3328x16xf32, #tpu.memory_space<vmem>> -> memref<128x16xf32, #tpu.memory_space<vmem>>
    %dma_wait3A_273 = arith.constant 0 : i32
    %dma_wait3A_274 = tpu.memref_slice %arg5[%dma_wait3A_269, %dma_wait3A_273] : memref<26x128xi32, #tpu.memory_space<vmem>> -> memref<1x128xi32, #tpu.memory_space<vmem>>
    %dma_wait3A_275 = tpu.memref_squeeze %dma_wait3A_274 : memref<1x128xi32, #tpu.memory_space<vmem>> -> memref<128xi32, #tpu.memory_space<vmem>>
    %dma_wait3A_276 = arith.constant 0 : i32
    %dma_wait3A_277 = arith.constant 0 : i32
    %dma_wait3A_278 = tpu.memref_slice %arg3[%dma_wait3A_276, %dma_wait3A_277] : memref<1000000x16xf32, #tpu.memory_space<hbm>> -> memref<1000000x16xf32, #tpu.memory_space<hbm>>
    tpu.wait_indirect_dma semaphore(%arg9 : memref<!tpu.dma_semaphore, #tpu.memory_space<semaphore_mem>>) src(%dma_wait3A_278 : memref<1000000x16xf32, #tpu.memory_space<hbm>>) dst(%dma_wait3A_272 : memref<128x16xf32, #tpu.memory_space<vmem>>)
    %dma_wait3A_279 = arith.constant 2 : i32
    %dma_wait3A_280 = arith.constant 256 : i32
    %dma_wait3A_281 = arith.constant 0 : i32
    %dma_wait3A_282 = tpu.memref_slice %arg6[%dma_wait3A_280, %dma_wait3A_281] : memref<3328x16xf32, #tpu.memory_space<vmem>> -> memref<128x16xf32, #tpu.memory_space<vmem>>
    %dma_wait3A_283 = arith.constant 0 : i32
    %dma_wait3A_284 = tpu.memref_slice %arg5[%dma_wait3A_279, %dma_wait3A_283] : memref<26x128xi32, #tpu.memory_space<vmem>> -> memref<1x128xi32, #tpu.memory_space<vmem>>
    %dma_wait3A_285 = tpu.memref_squeeze %dma_wait3A_284 : memref<1x128xi32, #tpu.memory_space<vmem>> -> memref<128xi32, #tpu.memory_space<vmem>>
    %dma_wait3A_286 = arith.constant 0 : i32
    %dma_wait3A_287 = arith.constant 0 : i32
    %dma_wait3A_288 = tpu.memref_slice %arg3[%dma_wait3A_286, %dma_wait3A_287] : memref<1000000x16xf32, #tpu.memory_space<hbm>> -> memref<1000000x16xf32, #tpu.memory_space<hbm>>
    tpu.wait_indirect_dma semaphore(%arg10 : memref<!tpu.dma_semaphore, #tpu.memory_space<semaphore_mem>>) src(%dma_wait3A_288 : memref<1000000x16xf32, #tpu.memory_space<hbm>>) dst(%dma_wait3A_282 : memref<128x16xf32, #tpu.memory_space<vmem>>)
    %dma_wait3A_289 = arith.constant 3 : i32
    %dma_wait3A_290 = arith.constant 384 : i32
    %dma_wait3A_291 = arith.constant 0 : i32
    %dma_wait3A_292 = tpu.memref_slice %arg6[%dma_wait3A_290, %dma_wait3A_291] : memref<3328x16xf32, #tpu.memory_space<vmem>> -> memref<128x16xf32, #tpu.memory_space<vmem>>
    %dma_wait3A_293 = arith.constant 0 : i32
    %dma_wait3A_294 = tpu.memref_slice %arg5[%dma_wait3A_289, %dma_wait3A_293] : memref<26x128xi32, #tpu.memory_space<vmem>> -> memref<1x128xi32, #tpu.memory_space<vmem>>
    %dma_wait3A_295 = tpu.memref_squeeze %dma_wait3A_294 : memref<1x128xi32, #tpu.memory_space<vmem>> -> memref<128xi32, #tpu.memory_space<vmem>>
    %dma_wait3A_296 = arith.constant 0 : i32
    %dma_wait3A_297 = arith.constant 0 : i32
    %dma_wait3A_298 = tpu.memref_slice %arg3[%dma_wait3A_296, %dma_wait3A_297] : memref<1000000x16xf32, #tpu.memory_space<hbm>> -> memref<1000000x16xf32, #tpu.memory_space<hbm>>
    tpu.wait_indirect_dma semaphore(%arg11 : memref<!tpu.dma_semaphore, #tpu.memory_space<semaphore_mem>>) src(%dma_wait3A_298 : memref<1000000x16xf32, #tpu.memory_space<hbm>>) dst(%dma_wait3A_292 : memref<128x16xf32, #tpu.memory_space<vmem>>)
    %dma_wait3A_299 = arith.constant 4 : i32
    %dma_wait3A_300 = arith.constant 512 : i32
    %dma_wait3A_301 = arith.constant 0 : i32
    %dma_wait3A_302 = tpu.memref_slice %arg6[%dma_wait3A_300, %dma_wait3A_301] : memref<3328x16xf32, #tpu.memory_space<vmem>> -> memref<128x16xf32, #tpu.memory_space<vmem>>
    %dma_wait3A_303 = arith.constant 0 : i32
    %dma_wait3A_304 = tpu.memref_slice %arg5[%dma_wait3A_299, %dma_wait3A_303] : memref<26x128xi32, #tpu.memory_space<vmem>> -> memref<1x128xi32, #tpu.memory_space<vmem>>
    %dma_wait3A_305 = tpu.memref_squeeze %dma_wait3A_304 : memref<1x128xi32, #tpu.memory_space<vmem>> -> memref<128xi32, #tpu.memory_space<vmem>>
    %dma_wait3A_306 = arith.constant 0 : i32
    %dma_wait3A_307 = arith.constant 0 : i32
    %dma_wait3A_308 = tpu.memref_slice %arg3[%dma_wait3A_306, %dma_wait3A_307] : memref<1000000x16xf32, #tpu.memory_space<hbm>> -> memref<1000000x16xf32, #tpu.memory_space<hbm>>
    tpu.wait_indirect_dma semaphore(%arg12 : memref<!tpu.dma_semaphore, #tpu.memory_space<semaphore_mem>>) src(%dma_wait3A_308 : memref<1000000x16xf32, #tpu.memory_space<hbm>>) dst(%dma_wait3A_302 : memref<128x16xf32, #tpu.memory_space<vmem>>)
    %dma_wait3A_309 = arith.constant 5 : i32
    %dma_wait3A_310 = arith.constant 640 : i32
    %dma_wait3A_311 = arith.constant 0 : i32
    %dma_wait3A_312 = tpu.memref_slice %arg6[%dma_wait3A_310, %dma_wait3A_311] : memref<3328x16xf32, #tpu.memory_space<vmem>> -> memref<128x16xf32, #tpu.memory_space<vmem>>
    %dma_wait3A_313 = arith.constant 0 : i32
    %dma_wait3A_314 = tpu.memref_slice %arg5[%dma_wait3A_309, %dma_wait3A_313] : memref<26x128xi32, #tpu.memory_space<vmem>> -> memref<1x128xi32, #tpu.memory_space<vmem>>
    %dma_wait3A_315 = tpu.memref_squeeze %dma_wait3A_314 : memref<1x128xi32, #tpu.memory_space<vmem>> -> memref<128xi32, #tpu.memory_space<vmem>>
    %dma_wait3A_316 = arith.constant 0 : i32
    %dma_wait3A_317 = arith.constant 0 : i32
    %dma_wait3A_318 = tpu.memref_slice %arg3[%dma_wait3A_316, %dma_wait3A_317] : memref<1000000x16xf32, #tpu.memory_space<hbm>> -> memref<1000000x16xf32, #tpu.memory_space<hbm>>
    tpu.wait_indirect_dma semaphore(%arg13 : memref<!tpu.dma_semaphore, #tpu.memory_space<semaphore_mem>>) src(%dma_wait3A_318 : memref<1000000x16xf32, #tpu.memory_space<hbm>>) dst(%dma_wait3A_312 : memref<128x16xf32, #tpu.memory_space<vmem>>)
    %dma_wait3A_319 = arith.constant 6 : i32
    %dma_wait3A_320 = arith.constant 768 : i32
    %dma_wait3A_321 = arith.constant 0 : i32
    %dma_wait3A_322 = tpu.memref_slice %arg6[%dma_wait3A_320, %dma_wait3A_321] : memref<3328x16xf32, #tpu.memory_space<vmem>> -> memref<128x16xf32, #tpu.memory_space<vmem>>
    %dma_wait3A_323 = arith.constant 0 : i32
    %dma_wait3A_324 = tpu.memref_slice %arg5[%dma_wait3A_319, %dma_wait3A_323] : memref<26x128xi32, #tpu.memory_space<vmem>> -> memref<1x128xi32, #tpu.memory_space<vmem>>
    %dma_wait3A_325 = tpu.memref_squeeze %dma_wait3A_324 : memref<1x128xi32, #tpu.memory_space<vmem>> -> memref<128xi32, #tpu.memory_space<vmem>>
    %dma_wait3A_326 = arith.constant 0 : i32
    %dma_wait3A_327 = arith.constant 0 : i32
    %dma_wait3A_328 = tpu.memref_slice %arg3[%dma_wait3A_326, %dma_wait3A_327] : memref<1000000x16xf32, #tpu.memory_space<hbm>> -> memref<1000000x16xf32, #tpu.memory_space<hbm>>
    tpu.wait_indirect_dma semaphore(%arg14 : memref<!tpu.dma_semaphore, #tpu.memory_space<semaphore_mem>>) src(%dma_wait3A_328 : memref<1000000x16xf32, #tpu.memory_space<hbm>>) dst(%dma_wait3A_322 : memref<128x16xf32, #tpu.memory_space<vmem>>)
    %dma_wait3A_329 = arith.constant 7 : i32
    %dma_wait3A_330 = arith.constant 896 : i32
    %dma_wait3A_331 = arith.constant 0 : i32
    %dma_wait3A_332 = tpu.memref_slice %arg6[%dma_wait3A_330, %dma_wait3A_331] : memref<3328x16xf32, #tpu.memory_space<vmem>> -> memref<128x16xf32, #tpu.memory_space<vmem>>
    %dma_wait3A_333 = arith.constant 0 : i32
    %dma_wait3A_334 = tpu.memref_slice %arg5[%dma_wait3A_329, %dma_wait3A_333] : memref<26x128xi32, #tpu.memory_space<vmem>> -> memref<1x128xi32, #tpu.memory_space<vmem>>
    %dma_wait3A_335 = tpu.memref_squeeze %dma_wait3A_334 : memref<1x128xi32, #tpu.memory_space<vmem>> -> memref<128xi32, #tpu.memory_space<vmem>>
    %dma_wait3A_336 = arith.constant 0 : i32
    %dma_wait3A_337 = arith.constant 0 : i32
    %dma_wait3A_338 = tpu.memref_slice %arg3[%dma_wait3A_336, %dma_wait3A_337] : memref<1000000x16xf32, #tpu.memory_space<hbm>> -> memref<1000000x16xf32, #tpu.memory_space<hbm>>
    tpu.wait_indirect_dma semaphore(%arg15 : memref<!tpu.dma_semaphore, #tpu.memory_space<semaphore_mem>>) src(%dma_wait3A_338 : memref<1000000x16xf32, #tpu.memory_space<hbm>>) dst(%dma_wait3A_332 : memref<128x16xf32, #tpu.memory_space<vmem>>)
    %dma_wait3A_339 = arith.constant 8 : i32
    %dma_wait3A_340 = arith.constant 1024 : i32
    %dma_wait3A_341 = arith.constant 0 : i32
    %dma_wait3A_342 = tpu.memref_slice %arg6[%dma_wait3A_340, %dma_wait3A_341] : memref<3328x16xf32, #tpu.memory_space<vmem>> -> memref<128x16xf32, #tpu.memory_space<vmem>>
    %dma_wait3A_343 = arith.constant 0 : i32
    %dma_wait3A_344 = tpu.memref_slice %arg5[%dma_wait3A_339, %dma_wait3A_343] : memref<26x128xi32, #tpu.memory_space<vmem>> -> memref<1x128xi32, #tpu.memory_space<vmem>>
    %dma_wait3A_345 = tpu.memref_squeeze %dma_wait3A_344 : memref<1x128xi32, #tpu.memory_space<vmem>> -> memref<128xi32, #tpu.memory_space<vmem>>
    %dma_wait3A_346 = arith.constant 0 : i32
    %dma_wait3A_347 = arith.constant 0 : i32
    %dma_wait3A_348 = tpu.memref_slice %arg3[%dma_wait3A_346, %dma_wait3A_347] : memref<1000000x16xf32, #tpu.memory_space<hbm>> -> memref<1000000x16xf32, #tpu.memory_space<hbm>>
    tpu.wait_indirect_dma semaphore(%arg8 : memref<!tpu.dma_semaphore, #tpu.memory_space<semaphore_mem>>) src(%dma_wait3A_348 : memref<1000000x16xf32, #tpu.memory_space<hbm>>) dst(%dma_wait3A_342 : memref<128x16xf32, #tpu.memory_space<vmem>>)
    %dma_wait3A_349 = arith.constant 9 : i32
    %dma_wait3A_350 = arith.constant 1152 : i32
    %dma_wait3A_351 = arith.constant 0 : i32
    %dma_wait3A_352 = tpu.memref_slice %arg6[%dma_wait3A_350, %dma_wait3A_351] : memref<3328x16xf32, #tpu.memory_space<vmem>> -> memref<128x16xf32, #tpu.memory_space<vmem>>
    %dma_wait3A_353 = arith.constant 0 : i32
    %dma_wait3A_354 = tpu.memref_slice %arg5[%dma_wait3A_349, %dma_wait3A_353] : memref<26x128xi32, #tpu.memory_space<vmem>> -> memref<1x128xi32, #tpu.memory_space<vmem>>
    %dma_wait3A_355 = tpu.memref_squeeze %dma_wait3A_354 : memref<1x128xi32, #tpu.memory_space<vmem>> -> memref<128xi32, #tpu.memory_space<vmem>>
    %dma_wait3A_356 = arith.constant 0 : i32
    %dma_wait3A_357 = arith.constant 0 : i32
    %dma_wait3A_358 = tpu.memref_slice %arg3[%dma_wait3A_356, %dma_wait3A_357] : memref<1000000x16xf32, #tpu.memory_space<hbm>> -> memref<1000000x16xf32, #tpu.memory_space<hbm>>
    tpu.wait_indirect_dma semaphore(%arg9 : memref<!tpu.dma_semaphore, #tpu.memory_space<semaphore_mem>>) src(%dma_wait3A_358 : memref<1000000x16xf32, #tpu.memory_space<hbm>>) dst(%dma_wait3A_352 : memref<128x16xf32, #tpu.memory_space<vmem>>)
    %dma_wait3A_359 = arith.constant 10 : i32
    %dma_wait3A_360 = arith.constant 1280 : i32
    %dma_wait3A_361 = arith.constant 0 : i32
    %dma_wait3A_362 = tpu.memref_slice %arg6[%dma_wait3A_360, %dma_wait3A_361] : memref<3328x16xf32, #tpu.memory_space<vmem>> -> memref<128x16xf32, #tpu.memory_space<vmem>>
    %dma_wait3A_363 = arith.constant 0 : i32
    %dma_wait3A_364 = tpu.memref_slice %arg5[%dma_wait3A_359, %dma_wait3A_363] : memref<26x128xi32, #tpu.memory_space<vmem>> -> memref<1x128xi32, #tpu.memory_space<vmem>>
    %dma_wait3A_365 = tpu.memref_squeeze %dma_wait3A_364 : memref<1x128xi32, #tpu.memory_space<vmem>> -> memref<128xi32, #tpu.memory_space<vmem>>
    %dma_wait3A_366 = arith.constant 0 : i32
    %dma_wait3A_367 = arith.constant 0 : i32
    %dma_wait3A_368 = tpu.memref_slice %arg3[%dma_wait3A_366, %dma_wait3A_367] : memref<1000000x16xf32, #tpu.memory_space<hbm>> -> memref<1000000x16xf32, #tpu.memory_space<hbm>>
    tpu.wait_indirect_dma semaphore(%arg10 : memref<!tpu.dma_semaphore, #tpu.memory_space<semaphore_mem>>) src(%dma_wait3A_368 : memref<1000000x16xf32, #tpu.memory_space<hbm>>) dst(%dma_wait3A_362 : memref<128x16xf32, #tpu.memory_space<vmem>>)
    %dma_wait3A_369 = arith.constant 11 : i32
    %dma_wait3A_370 = arith.constant 1408 : i32
    %dma_wait3A_371 = arith.constant 0 : i32
    %dma_wait3A_372 = tpu.memref_slice %arg6[%dma_wait3A_370, %dma_wait3A_371] : memref<3328x16xf32, #tpu.memory_space<vmem>> -> memref<128x16xf32, #tpu.memory_space<vmem>>
    %dma_wait3A_373 = arith.constant 0 : i32
    %dma_wait3A_374 = tpu.memref_slice %arg5[%dma_wait3A_369, %dma_wait3A_373] : memref<26x128xi32, #tpu.memory_space<vmem>> -> memref<1x128xi32, #tpu.memory_space<vmem>>
    %dma_wait3A_375 = tpu.memref_squeeze %dma_wait3A_374 : memref<1x128xi32, #tpu.memory_space<vmem>> -> memref<128xi32, #tpu.memory_space<vmem>>
    %dma_wait3A_376 = arith.constant 0 : i32
    %dma_wait3A_377 = arith.constant 0 : i32
    %dma_wait3A_378 = tpu.memref_slice %arg3[%dma_wait3A_376, %dma_wait3A_377] : memref<1000000x16xf32, #tpu.memory_space<hbm>> -> memref<1000000x16xf32, #tpu.memory_space<hbm>>
    tpu.wait_indirect_dma semaphore(%arg11 : memref<!tpu.dma_semaphore, #tpu.memory_space<semaphore_mem>>) src(%dma_wait3A_378 : memref<1000000x16xf32, #tpu.memory_space<hbm>>) dst(%dma_wait3A_372 : memref<128x16xf32, #tpu.memory_space<vmem>>)
    %dma_wait3A_379 = arith.constant 12 : i32
    %dma_wait3A_380 = arith.constant 1536 : i32
    %dma_wait3A_381 = arith.constant 0 : i32
    %dma_wait3A_382 = tpu.memref_slice %arg6[%dma_wait3A_380, %dma_wait3A_381] : memref<3328x16xf32, #tpu.memory_space<vmem>> -> memref<128x16xf32, #tpu.memory_space<vmem>>
    %dma_wait3A_383 = arith.constant 0 : i32
    %dma_wait3A_384 = tpu.memref_slice %arg5[%dma_wait3A_379, %dma_wait3A_383] : memref<26x128xi32, #tpu.memory_space<vmem>> -> memref<1x128xi32, #tpu.memory_space<vmem>>
    %dma_wait3A_385 = tpu.memref_squeeze %dma_wait3A_384 : memref<1x128xi32, #tpu.memory_space<vmem>> -> memref<128xi32, #tpu.memory_space<vmem>>
    %dma_wait3A_386 = arith.constant 0 : i32
    %dma_wait3A_387 = arith.constant 0 : i32
    %dma_wait3A_388 = tpu.memref_slice %arg3[%dma_wait3A_386, %dma_wait3A_387] : memref<1000000x16xf32, #tpu.memory_space<hbm>> -> memref<1000000x16xf32, #tpu.memory_space<hbm>>
    tpu.wait_indirect_dma semaphore(%arg12 : memref<!tpu.dma_semaphore, #tpu.memory_space<semaphore_mem>>) src(%dma_wait3A_388 : memref<1000000x16xf32, #tpu.memory_space<hbm>>) dst(%dma_wait3A_382 : memref<128x16xf32, #tpu.memory_space<vmem>>)
    %dma_wait3A_389 = arith.constant 13 : i32
    %dma_wait3A_390 = arith.constant 1664 : i32
    %dma_wait3A_391 = arith.constant 0 : i32
    %dma_wait3A_392 = tpu.memref_slice %arg6[%dma_wait3A_390, %dma_wait3A_391] : memref<3328x16xf32, #tpu.memory_space<vmem>> -> memref<128x16xf32, #tpu.memory_space<vmem>>
    %dma_wait3A_393 = arith.constant 0 : i32
    %dma_wait3A_394 = tpu.memref_slice %arg5[%dma_wait3A_389, %dma_wait3A_393] : memref<26x128xi32, #tpu.memory_space<vmem>> -> memref<1x128xi32, #tpu.memory_space<vmem>>
    %dma_wait3A_395 = tpu.memref_squeeze %dma_wait3A_394 : memref<1x128xi32, #tpu.memory_space<vmem>> -> memref<128xi32, #tpu.memory_space<vmem>>
    %dma_wait3A_396 = arith.constant 0 : i32
    %dma_wait3A_397 = arith.constant 0 : i32
    %dma_wait3A_398 = tpu.memref_slice %arg3[%dma_wait3A_396, %dma_wait3A_397] : memref<1000000x16xf32, #tpu.memory_space<hbm>> -> memref<1000000x16xf32, #tpu.memory_space<hbm>>
    tpu.wait_indirect_dma semaphore(%arg13 : memref<!tpu.dma_semaphore, #tpu.memory_space<semaphore_mem>>) src(%dma_wait3A_398 : memref<1000000x16xf32, #tpu.memory_space<hbm>>) dst(%dma_wait3A_392 : memref<128x16xf32, #tpu.memory_space<vmem>>)
    %dma_wait3A_399 = arith.constant 14 : i32
    %dma_wait3A_400 = arith.constant 1792 : i32
    %dma_wait3A_401 = arith.constant 0 : i32
    %dma_wait3A_402 = tpu.memref_slice %arg6[%dma_wait3A_400, %dma_wait3A_401] : memref<3328x16xf32, #tpu.memory_space<vmem>> -> memref<128x16xf32, #tpu.memory_space<vmem>>
    %dma_wait3A_403 = arith.constant 0 : i32
    %dma_wait3A_404 = tpu.memref_slice %arg5[%dma_wait3A_399, %dma_wait3A_403] : memref<26x128xi32, #tpu.memory_space<vmem>> -> memref<1x128xi32, #tpu.memory_space<vmem>>
    %dma_wait3A_405 = tpu.memref_squeeze %dma_wait3A_404 : memref<1x128xi32, #tpu.memory_space<vmem>> -> memref<128xi32, #tpu.memory_space<vmem>>
    %dma_wait3A_406 = arith.constant 0 : i32
    %dma_wait3A_407 = arith.constant 0 : i32
    %dma_wait3A_408 = tpu.memref_slice %arg3[%dma_wait3A_406, %dma_wait3A_407] : memref<1000000x16xf32, #tpu.memory_space<hbm>> -> memref<1000000x16xf32, #tpu.memory_space<hbm>>
    tpu.wait_indirect_dma semaphore(%arg14 : memref<!tpu.dma_semaphore, #tpu.memory_space<semaphore_mem>>) src(%dma_wait3A_408 : memref<1000000x16xf32, #tpu.memory_space<hbm>>) dst(%dma_wait3A_402 : memref<128x16xf32, #tpu.memory_space<vmem>>)
    %dma_wait3A_409 = arith.constant 15 : i32
    %dma_wait3A_410 = arith.constant 1920 : i32
    %dma_wait3A_411 = arith.constant 0 : i32
    %dma_wait3A_412 = tpu.memref_slice %arg6[%dma_wait3A_410, %dma_wait3A_411] : memref<3328x16xf32, #tpu.memory_space<vmem>> -> memref<128x16xf32, #tpu.memory_space<vmem>>
    %dma_wait3A_413 = arith.constant 0 : i32
    %dma_wait3A_414 = tpu.memref_slice %arg5[%dma_wait3A_409, %dma_wait3A_413] : memref<26x128xi32, #tpu.memory_space<vmem>> -> memref<1x128xi32, #tpu.memory_space<vmem>>
    %dma_wait3A_415 = tpu.memref_squeeze %dma_wait3A_414 : memref<1x128xi32, #tpu.memory_space<vmem>> -> memref<128xi32, #tpu.memory_space<vmem>>
    %dma_wait3A_416 = arith.constant 0 : i32
    %dma_wait3A_417 = arith.constant 0 : i32
    %dma_wait3A_418 = tpu.memref_slice %arg3[%dma_wait3A_416, %dma_wait3A_417] : memref<1000000x16xf32, #tpu.memory_space<hbm>> -> memref<1000000x16xf32, #tpu.memory_space<hbm>>
    tpu.wait_indirect_dma semaphore(%arg15 : memref<!tpu.dma_semaphore, #tpu.memory_space<semaphore_mem>>) src(%dma_wait3A_418 : memref<1000000x16xf32, #tpu.memory_space<hbm>>) dst(%dma_wait3A_412 : memref<128x16xf32, #tpu.memory_space<vmem>>)
    %dma_wait3A_419 = arith.constant 16 : i32
    %dma_wait3A_420 = arith.constant 2048 : i32
    %dma_wait3A_421 = arith.constant 0 : i32
    %dma_wait3A_422 = tpu.memref_slice %arg6[%dma_wait3A_420, %dma_wait3A_421] : memref<3328x16xf32, #tpu.memory_space<vmem>> -> memref<128x16xf32, #tpu.memory_space<vmem>>
    %dma_wait3A_423 = arith.constant 0 : i32
    %dma_wait3A_424 = tpu.memref_slice %arg5[%dma_wait3A_419, %dma_wait3A_423] : memref<26x128xi32, #tpu.memory_space<vmem>> -> memref<1x128xi32, #tpu.memory_space<vmem>>
    %dma_wait3A_425 = tpu.memref_squeeze %dma_wait3A_424 : memref<1x128xi32, #tpu.memory_space<vmem>> -> memref<128xi32, #tpu.memory_space<vmem>>
    %dma_wait3A_426 = arith.constant 0 : i32
    %dma_wait3A_427 = arith.constant 0 : i32
    %dma_wait3A_428 = tpu.memref_slice %arg3[%dma_wait3A_426, %dma_wait3A_427] : memref<1000000x16xf32, #tpu.memory_space<hbm>> -> memref<1000000x16xf32, #tpu.memory_space<hbm>>
    tpu.wait_indirect_dma semaphore(%arg8 : memref<!tpu.dma_semaphore, #tpu.memory_space<semaphore_mem>>) src(%dma_wait3A_428 : memref<1000000x16xf32, #tpu.memory_space<hbm>>) dst(%dma_wait3A_422 : memref<128x16xf32, #tpu.memory_space<vmem>>)
    %dma_wait3A_429 = arith.constant 17 : i32
    %dma_wait3A_430 = arith.constant 2176 : i32
    %dma_wait3A_431 = arith.constant 0 : i32
    %dma_wait3A_432 = tpu.memref_slice %arg6[%dma_wait3A_430, %dma_wait3A_431] : memref<3328x16xf32, #tpu.memory_space<vmem>> -> memref<128x16xf32, #tpu.memory_space<vmem>>
    %dma_wait3A_433 = arith.constant 0 : i32
    %dma_wait3A_434 = tpu.memref_slice %arg5[%dma_wait3A_429, %dma_wait3A_433] : memref<26x128xi32, #tpu.memory_space<vmem>> -> memref<1x128xi32, #tpu.memory_space<vmem>>
    %dma_wait3A_435 = tpu.memref_squeeze %dma_wait3A_434 : memref<1x128xi32, #tpu.memory_space<vmem>> -> memref<128xi32, #tpu.memory_space<vmem>>
    %dma_wait3A_436 = arith.constant 0 : i32
    %dma_wait3A_437 = arith.constant 0 : i32
    %dma_wait3A_438 = tpu.memref_slice %arg3[%dma_wait3A_436, %dma_wait3A_437] : memref<1000000x16xf32, #tpu.memory_space<hbm>> -> memref<1000000x16xf32, #tpu.memory_space<hbm>>
    tpu.wait_indirect_dma semaphore(%arg9 : memref<!tpu.dma_semaphore, #tpu.memory_space<semaphore_mem>>) src(%dma_wait3A_438 : memref<1000000x16xf32, #tpu.memory_space<hbm>>) dst(%dma_wait3A_432 : memref<128x16xf32, #tpu.memory_space<vmem>>)
    %dma_wait3A_439 = arith.constant 18 : i32
    %dma_wait3A_440 = arith.constant 2304 : i32
    %dma_wait3A_441 = arith.constant 0 : i32
    %dma_wait3A_442 = tpu.memref_slice %arg6[%dma_wait3A_440, %dma_wait3A_441] : memref<3328x16xf32, #tpu.memory_space<vmem>> -> memref<128x16xf32, #tpu.memory_space<vmem>>
    %dma_wait3A_443 = arith.constant 0 : i32
    %dma_wait3A_444 = tpu.memref_slice %arg5[%dma_wait3A_439, %dma_wait3A_443] : memref<26x128xi32, #tpu.memory_space<vmem>> -> memref<1x128xi32, #tpu.memory_space<vmem>>
    %dma_wait3A_445 = tpu.memref_squeeze %dma_wait3A_444 : memref<1x128xi32, #tpu.memory_space<vmem>> -> memref<128xi32, #tpu.memory_space<vmem>>
    %dma_wait3A_446 = arith.constant 0 : i32
    %dma_wait3A_447 = arith.constant 0 : i32
    %dma_wait3A_448 = tpu.memref_slice %arg3[%dma_wait3A_446, %dma_wait3A_447] : memref<1000000x16xf32, #tpu.memory_space<hbm>> -> memref<1000000x16xf32, #tpu.memory_space<hbm>>
    tpu.wait_indirect_dma semaphore(%arg10 : memref<!tpu.dma_semaphore, #tpu.memory_space<semaphore_mem>>) src(%dma_wait3A_448 : memref<1000000x16xf32, #tpu.memory_space<hbm>>) dst(%dma_wait3A_442 : memref<128x16xf32, #tpu.memory_space<vmem>>)
    %dma_wait3A_449 = arith.constant 19 : i32
    %dma_wait3A_450 = arith.constant 2432 : i32
    %dma_wait3A_451 = arith.constant 0 : i32
    %dma_wait3A_452 = tpu.memref_slice %arg6[%dma_wait3A_450, %dma_wait3A_451] : memref<3328x16xf32, #tpu.memory_space<vmem>> -> memref<128x16xf32, #tpu.memory_space<vmem>>
    %dma_wait3A_453 = arith.constant 0 : i32
    %dma_wait3A_454 = tpu.memref_slice %arg5[%dma_wait3A_449, %dma_wait3A_453] : memref<26x128xi32, #tpu.memory_space<vmem>> -> memref<1x128xi32, #tpu.memory_space<vmem>>
    %dma_wait3A_455 = tpu.memref_squeeze %dma_wait3A_454 : memref<1x128xi32, #tpu.memory_space<vmem>> -> memref<128xi32, #tpu.memory_space<vmem>>
    %dma_wait3A_456 = arith.constant 0 : i32
    %dma_wait3A_457 = arith.constant 0 : i32
    %dma_wait3A_458 = tpu.memref_slice %arg3[%dma_wait3A_456, %dma_wait3A_457] : memref<1000000x16xf32, #tpu.memory_space<hbm>> -> memref<1000000x16xf32, #tpu.memory_space<hbm>>
    tpu.wait_indirect_dma semaphore(%arg11 : memref<!tpu.dma_semaphore, #tpu.memory_space<semaphore_mem>>) src(%dma_wait3A_458 : memref<1000000x16xf32, #tpu.memory_space<hbm>>) dst(%dma_wait3A_452 : memref<128x16xf32, #tpu.memory_space<vmem>>)
    %dma_wait3A_459 = arith.constant 20 : i32
    %dma_wait3A_460 = arith.constant 2560 : i32
    %dma_wait3A_461 = arith.constant 0 : i32
    %dma_wait3A_462 = tpu.memref_slice %arg6[%dma_wait3A_460, %dma_wait3A_461] : memref<3328x16xf32, #tpu.memory_space<vmem>> -> memref<128x16xf32, #tpu.memory_space<vmem>>
    %dma_wait3A_463 = arith.constant 0 : i32
    %dma_wait3A_464 = tpu.memref_slice %arg5[%dma_wait3A_459, %dma_wait3A_463] : memref<26x128xi32, #tpu.memory_space<vmem>> -> memref<1x128xi32, #tpu.memory_space<vmem>>
    %dma_wait3A_465 = tpu.memref_squeeze %dma_wait3A_464 : memref<1x128xi32, #tpu.memory_space<vmem>> -> memref<128xi32, #tpu.memory_space<vmem>>
    %dma_wait3A_466 = arith.constant 0 : i32
    %dma_wait3A_467 = arith.constant 0 : i32
    %dma_wait3A_468 = tpu.memref_slice %arg3[%dma_wait3A_466, %dma_wait3A_467] : memref<1000000x16xf32, #tpu.memory_space<hbm>> -> memref<1000000x16xf32, #tpu.memory_space<hbm>>
    tpu.wait_indirect_dma semaphore(%arg12 : memref<!tpu.dma_semaphore, #tpu.memory_space<semaphore_mem>>) src(%dma_wait3A_468 : memref<1000000x16xf32, #tpu.memory_space<hbm>>) dst(%dma_wait3A_462 : memref<128x16xf32, #tpu.memory_space<vmem>>)
    %dma_wait3A_469 = arith.constant 21 : i32
    %dma_wait3A_470 = arith.constant 2688 : i32
    %dma_wait3A_471 = arith.constant 0 : i32
    %dma_wait3A_472 = tpu.memref_slice %arg6[%dma_wait3A_470, %dma_wait3A_471] : memref<3328x16xf32, #tpu.memory_space<vmem>> -> memref<128x16xf32, #tpu.memory_space<vmem>>
    %dma_wait3A_473 = arith.constant 0 : i32
    %dma_wait3A_474 = tpu.memref_slice %arg5[%dma_wait3A_469, %dma_wait3A_473] : memref<26x128xi32, #tpu.memory_space<vmem>> -> memref<1x128xi32, #tpu.memory_space<vmem>>
    %dma_wait3A_475 = tpu.memref_squeeze %dma_wait3A_474 : memref<1x128xi32, #tpu.memory_space<vmem>> -> memref<128xi32, #tpu.memory_space<vmem>>
    %dma_wait3A_476 = arith.constant 0 : i32
    %dma_wait3A_477 = arith.constant 0 : i32
    %dma_wait3A_478 = tpu.memref_slice %arg3[%dma_wait3A_476, %dma_wait3A_477] : memref<1000000x16xf32, #tpu.memory_space<hbm>> -> memref<1000000x16xf32, #tpu.memory_space<hbm>>
    tpu.wait_indirect_dma semaphore(%arg13 : memref<!tpu.dma_semaphore, #tpu.memory_space<semaphore_mem>>) src(%dma_wait3A_478 : memref<1000000x16xf32, #tpu.memory_space<hbm>>) dst(%dma_wait3A_472 : memref<128x16xf32, #tpu.memory_space<vmem>>)
    %dma_wait3A_479 = arith.constant 22 : i32
    %dma_wait3A_480 = arith.constant 2816 : i32
    %dma_wait3A_481 = arith.constant 0 : i32
    %dma_wait3A_482 = tpu.memref_slice %arg6[%dma_wait3A_480, %dma_wait3A_481] : memref<3328x16xf32, #tpu.memory_space<vmem>> -> memref<128x16xf32, #tpu.memory_space<vmem>>
    %dma_wait3A_483 = arith.constant 0 : i32
    %dma_wait3A_484 = tpu.memref_slice %arg5[%dma_wait3A_479, %dma_wait3A_483] : memref<26x128xi32, #tpu.memory_space<vmem>> -> memref<1x128xi32, #tpu.memory_space<vmem>>
    %dma_wait3A_485 = tpu.memref_squeeze %dma_wait3A_484 : memref<1x128xi32, #tpu.memory_space<vmem>> -> memref<128xi32, #tpu.memory_space<vmem>>
    %dma_wait3A_486 = arith.constant 0 : i32
    %dma_wait3A_487 = arith.constant 0 : i32
    %dma_wait3A_488 = tpu.memref_slice %arg3[%dma_wait3A_486, %dma_wait3A_487] : memref<1000000x16xf32, #tpu.memory_space<hbm>> -> memref<1000000x16xf32, #tpu.memory_space<hbm>>
    tpu.wait_indirect_dma semaphore(%arg14 : memref<!tpu.dma_semaphore, #tpu.memory_space<semaphore_mem>>) src(%dma_wait3A_488 : memref<1000000x16xf32, #tpu.memory_space<hbm>>) dst(%dma_wait3A_482 : memref<128x16xf32, #tpu.memory_space<vmem>>)
    %dma_wait3A_489 = arith.constant 23 : i32
    %dma_wait3A_490 = arith.constant 2944 : i32
    %dma_wait3A_491 = arith.constant 0 : i32
    %dma_wait3A_492 = tpu.memref_slice %arg6[%dma_wait3A_490, %dma_wait3A_491] : memref<3328x16xf32, #tpu.memory_space<vmem>> -> memref<128x16xf32, #tpu.memory_space<vmem>>
    %dma_wait3A_493 = arith.constant 0 : i32
    %dma_wait3A_494 = tpu.memref_slice %arg5[%dma_wait3A_489, %dma_wait3A_493] : memref<26x128xi32, #tpu.memory_space<vmem>> -> memref<1x128xi32, #tpu.memory_space<vmem>>
    %dma_wait3A_495 = tpu.memref_squeeze %dma_wait3A_494 : memref<1x128xi32, #tpu.memory_space<vmem>> -> memref<128xi32, #tpu.memory_space<vmem>>
    %dma_wait3A_496 = arith.constant 0 : i32
    %dma_wait3A_497 = arith.constant 0 : i32
    %dma_wait3A_498 = tpu.memref_slice %arg3[%dma_wait3A_496, %dma_wait3A_497] : memref<1000000x16xf32, #tpu.memory_space<hbm>> -> memref<1000000x16xf32, #tpu.memory_space<hbm>>
    tpu.wait_indirect_dma semaphore(%arg15 : memref<!tpu.dma_semaphore, #tpu.memory_space<semaphore_mem>>) src(%dma_wait3A_498 : memref<1000000x16xf32, #tpu.memory_space<hbm>>) dst(%dma_wait3A_492 : memref<128x16xf32, #tpu.memory_space<vmem>>)
    %dma_wait3A_499 = arith.constant 24 : i32
    %dma_wait3A_500 = arith.constant 3072 : i32
    %dma_wait3A_501 = arith.constant 0 : i32
    %dma_wait3A_502 = tpu.memref_slice %arg6[%dma_wait3A_500, %dma_wait3A_501] : memref<3328x16xf32, #tpu.memory_space<vmem>> -> memref<128x16xf32, #tpu.memory_space<vmem>>
    %dma_wait3A_503 = arith.constant 0 : i32
    %dma_wait3A_504 = tpu.memref_slice %arg5[%dma_wait3A_499, %dma_wait3A_503] : memref<26x128xi32, #tpu.memory_space<vmem>> -> memref<1x128xi32, #tpu.memory_space<vmem>>
    %dma_wait3A_505 = tpu.memref_squeeze %dma_wait3A_504 : memref<1x128xi32, #tpu.memory_space<vmem>> -> memref<128xi32, #tpu.memory_space<vmem>>
    %dma_wait3A_506 = arith.constant 0 : i32
    %dma_wait3A_507 = arith.constant 0 : i32
    %dma_wait3A_508 = tpu.memref_slice %arg3[%dma_wait3A_506, %dma_wait3A_507] : memref<1000000x16xf32, #tpu.memory_space<hbm>> -> memref<1000000x16xf32, #tpu.memory_space<hbm>>
    tpu.wait_indirect_dma semaphore(%arg8 : memref<!tpu.dma_semaphore, #tpu.memory_space<semaphore_mem>>) src(%dma_wait3A_508 : memref<1000000x16xf32, #tpu.memory_space<hbm>>) dst(%dma_wait3A_502 : memref<128x16xf32, #tpu.memory_space<vmem>>)
    %dma_wait3A_509 = arith.constant 25 : i32
    %dma_wait3A_510 = arith.constant 3200 : i32
    %dma_wait3A_511 = arith.constant 0 : i32
    %dma_wait3A_512 = tpu.memref_slice %arg6[%dma_wait3A_510, %dma_wait3A_511] : memref<3328x16xf32, #tpu.memory_space<vmem>> -> memref<128x16xf32, #tpu.memory_space<vmem>>
    %dma_wait3A_513 = arith.constant 0 : i32
    %dma_wait3A_514 = tpu.memref_slice %arg5[%dma_wait3A_509, %dma_wait3A_513] : memref<26x128xi32, #tpu.memory_space<vmem>> -> memref<1x128xi32, #tpu.memory_space<vmem>>
    %dma_wait3A_515 = tpu.memref_squeeze %dma_wait3A_514 : memref<1x128xi32, #tpu.memory_space<vmem>> -> memref<128xi32, #tpu.memory_space<vmem>>
    %dma_wait3A_516 = arith.constant 0 : i32
    %dma_wait3A_517 = arith.constant 0 : i32
    %dma_wait3A_518 = tpu.memref_slice %arg3[%dma_wait3A_516, %dma_wait3A_517] : memref<1000000x16xf32, #tpu.memory_space<hbm>> -> memref<1000000x16xf32, #tpu.memory_space<hbm>>
    tpu.wait_indirect_dma semaphore(%arg9 : memref<!tpu.dma_semaphore, #tpu.memory_space<semaphore_mem>>) src(%dma_wait3A_518 : memref<1000000x16xf32, #tpu.memory_space<hbm>>) dst(%dma_wait3A_512 : memref<128x16xf32, #tpu.memory_space<vmem>>)
    %broadcast_in_dim3A = arith.constant 0.000000e+00 : f32
    %broadcast_in_dim3A_519 = vector.broadcast %broadcast_in_dim3A : f32 to vector<16xf32>
    %scan3A = arith.constant 0 : i32
    %scan3A_520 = arith.constant 0 : i32
    %scan3A_521 = arith.constant 4 : i32
    %scan3A_522 = arith.addi %scan3A_520, %scan3A_521 : i32
    %scan3A_523 = arith.constant 1 : i32
    scf.for %scan3A_525 = %scan3A_520 to %scan3A_522 step %scan3A_523  : i32 {
      %rem3A = arith.constant 2 : i32
      %rem3A_526 = arith.remsi %scan3A_525, %rem3A : i32
      %scan3A_527 = arith.constant 0 : i32
      %scan3A_528 = arith.constant 0 : i32
      %scan3A_529 = arith.constant 32 : i32
      %scan3A_530 = arith.addi %scan3A_528, %scan3A_529 : i32
      %scan3A_531 = arith.constant 1 : i32
      scf.for %scan3A_560 = %scan3A_528 to %scan3A_530 step %scan3A_531  : i32 {
        %mul3A_561 = arith.constant 32 : i32
        %mul3A_562 = arith.muli %scan3A_525, %mul3A_561 : i32
        %add3A_563 = arith.addi %mul3A_562, %scan3A_560 : i32
        %mul3A_564 = arith.constant 26 : i32
        %mul3A_565 = arith.muli %add3A_563, %mul3A_564 : i32
        %add3A_566 = arith.constant 0 : i32
        %add3A_567 = arith.addi %mul3A_565, %add3A_566 : i32
        %get3A = arith.index_cast %add3A_567 : i32 to index
        %get3A_568 = arith.constant 0 : index
        %get3A_569 = tpu.vector_load %arg6[%get3A, %get3A_568] {strides = array<i32>} : memref<3328x16xf32, #tpu.memory_space<vmem>>, vector<1x16xf32>,
        %get3A_570 = vector.shape_cast %get3A_569 : vector<1x16xf32> to vector<16xf32>
        %swap3A = arith.constant 0 : i32
        %swap3A_571 = arith.index_cast %rem3A_526 : i32 to index
        %swap3A_572 = arith.index_cast %swap3A : i32 to index
        %swap3A_573 = arith.index_cast %scan3A_560 : i32 to index
        %swap3A_574 = arith.constant 0 : index
        %swap3A_575 = tpu.vector_load %arg7[%swap3A_571, %swap3A_572, %swap3A_573, %swap3A_574] {strides = array<i32>} : memref<2x4x32x128xf32, #tpu.memory_space<vmem>>, vector<1x1x1x16xf32>,
        %swap3A_576 = vector.shape_cast %swap3A_575 : vector<1x1x1x16xf32> to vector<16xf32>
        %swap3A_577 = vector.shape_cast %get3A_570 : vector<16xf32> to vector<1x1x1x16xf32>
        tpu.vector_store %arg7[%swap3A_571, %swap3A_572, %swap3A_573, %swap3A_574], %swap3A_577 {strides = array<i32>} : memref<2x4x32x128xf32, #tpu.memory_space<vmem>>, vector<1x1x1x16xf32>,
        %mul3A_578 = arith.constant 32 : i32
        %mul3A_579 = arith.muli %scan3A_525, %mul3A_578 : i32
        %add3A_580 = arith.addi %mul3A_579, %scan3A_560 : i32
        %mul3A_581 = arith.constant 26 : i32
        %mul3A_582 = arith.muli %add3A_580, %mul3A_581 : i32
        %add3A_583 = arith.constant 1 : i32
        %add3A_584 = arith.addi %mul3A_582, %add3A_583 : i32
        %get3A_585 = arith.index_cast %add3A_584 : i32 to index
        %get3A_586 = arith.constant 0 : index
        %get3A_587 = tpu.vector_load %arg6[%get3A_585, %get3A_586] {strides = array<i32>} : memref<3328x16xf32, #tpu.memory_space<vmem>>, vector<1x16xf32>,
        %get3A_588 = vector.shape_cast %get3A_587 : vector<1x16xf32> to vector<16xf32>
        %swap3A_589 = arith.constant 0 : i32
        %swap3A_590 = arith.index_cast %rem3A_526 : i32 to index
        %swap3A_591 = arith.index_cast %swap3A_589 : i32 to index
        %swap3A_592 = arith.index_cast %scan3A_560 : i32 to index
        %swap3A_593 = arith.constant 16 : index
        %swap3A_594 = tpu.vector_load %arg7[%swap3A_590, %swap3A_591, %swap3A_592, %swap3A_593] {strides = array<i32>} : memref<2x4x32x128xf32, #tpu.memory_space<vmem>>, vector<1x1x1x16xf32>,
        %swap3A_595 = vector.shape_cast %swap3A_594 : vector<1x1x1x16xf32> to vector<16xf32>
        %swap3A_596 = vector.shape_cast %get3A_588 : vector<16xf32> to vector<1x1x1x16xf32>
        tpu.vector_store %arg7[%swap3A_590, %swap3A_591, %swap3A_592, %swap3A_593], %swap3A_596 {strides = array<i32>} : memref<2x4x32x128xf32, #tpu.memory_space<vmem>>, vector<1x1x1x16xf32>,
        %mul3A_597 = arith.constant 32 : i32
        %mul3A_598 = arith.muli %scan3A_525, %mul3A_597 : i32
        %add3A_599 = arith.addi %mul3A_598, %scan3A_560 : i32
        %mul3A_600 = arith.constant 26 : i32
        %mul3A_601 = arith.muli %add3A_599, %mul3A_600 : i32
        %add3A_602 = arith.constant 2 : i32
        %add3A_603 = arith.addi %mul3A_601, %add3A_602 : i32
        %get3A_604 = arith.index_cast %add3A_603 : i32 to index
        %get3A_605 = arith.constant 0 : index
        %get3A_606 = tpu.vector_load %arg6[%get3A_604, %get3A_605] {strides = array<i32>} : memref<3328x16xf32, #tpu.memory_space<vmem>>, vector<1x16xf32>,
        %get3A_607 = vector.shape_cast %get3A_606 : vector<1x16xf32> to vector<16xf32>
        %swap3A_608 = arith.constant 0 : i32
        %swap3A_609 = arith.index_cast %rem3A_526 : i32 to index
        %swap3A_610 = arith.index_cast %swap3A_608 : i32 to index
        %swap3A_611 = arith.index_cast %scan3A_560 : i32 to index
        %swap3A_612 = arith.constant 32 : index
        %swap3A_613 = tpu.vector_load %arg7[%swap3A_609, %swap3A_610, %swap3A_611, %swap3A_612] {strides = array<i32>} : memref<2x4x32x128xf32, #tpu.memory_space<vmem>>, vector<1x1x1x16xf32>,
        %swap3A_614 = vector.shape_cast %swap3A_613 : vector<1x1x1x16xf32> to vector<16xf32>
        %swap3A_615 = vector.shape_cast %get3A_607 : vector<16xf32> to vector<1x1x1x16xf32>
        tpu.vector_store %arg7[%swap3A_609, %swap3A_610, %swap3A_611, %swap3A_612], %swap3A_615 {strides = array<i32>} : memref<2x4x32x128xf32, #tpu.memory_space<vmem>>, vector<1x1x1x16xf32>,
        %mul3A_616 = arith.constant 32 : i32
        %mul3A_617 = arith.muli %scan3A_525, %mul3A_616 : i32
        %add3A_618 = arith.addi %mul3A_617, %scan3A_560 : i32
        %mul3A_619 = arith.constant 26 : i32
        %mul3A_620 = arith.muli %add3A_618, %mul3A_619 : i32
        %add3A_621 = arith.constant 3 : i32
        %add3A_622 = arith.addi %mul3A_620, %add3A_621 : i32
        %get3A_623 = arith.index_cast %add3A_622 : i32 to index
        %get3A_624 = arith.constant 0 : index
        %get3A_625 = tpu.vector_load %arg6[%get3A_623, %get3A_624] {strides = array<i32>} : memref<3328x16xf32, #tpu.memory_space<vmem>>, vector<1x16xf32>,
        %get3A_626 = vector.shape_cast %get3A_625 : vector<1x16xf32> to vector<16xf32>
        %swap3A_627 = arith.constant 0 : i32
        %swap3A_628 = arith.index_cast %rem3A_526 : i32 to index
        %swap3A_629 = arith.index_cast %swap3A_627 : i32 to index
        %swap3A_630 = arith.index_cast %scan3A_560 : i32 to index
        %swap3A_631 = arith.constant 48 : index
        %swap3A_632 = tpu.vector_load %arg7[%swap3A_628, %swap3A_629, %swap3A_630, %swap3A_631] {strides = array<i32>} : memref<2x4x32x128xf32, #tpu.memory_space<vmem>>, vector<1x1x1x16xf32>,
        %swap3A_633 = vector.shape_cast %swap3A_632 : vector<1x1x1x16xf32> to vector<16xf32>
        %swap3A_634 = vector.shape_cast %get3A_626 : vector<16xf32> to vector<1x1x1x16xf32>
        tpu.vector_store %arg7[%swap3A_628, %swap3A_629, %swap3A_630, %swap3A_631], %swap3A_634 {strides = array<i32>} : memref<2x4x32x128xf32, #tpu.memory_space<vmem>>, vector<1x1x1x16xf32>,
        %mul3A_635 = arith.constant 32 : i32
        %mul3A_636 = arith.muli %scan3A_525, %mul3A_635 : i32
        %add3A_637 = arith.addi %mul3A_636, %scan3A_560 : i32
        %mul3A_638 = arith.constant 26 : i32
        %mul3A_639 = arith.muli %add3A_637, %mul3A_638 : i32
        %add3A_640 = arith.constant 4 : i32
        %add3A_641 = arith.addi %mul3A_639, %add3A_640 : i32
        %get3A_642 = arith.index_cast %add3A_641 : i32 to index
        %get3A_643 = arith.constant 0 : index
        %get3A_644 = tpu.vector_load %arg6[%get3A_642, %get3A_643] {strides = array<i32>} : memref<3328x16xf32, #tpu.memory_space<vmem>>, vector<1x16xf32>,
        %get3A_645 = vector.shape_cast %get3A_644 : vector<1x16xf32> to vector<16xf32>
        %swap3A_646 = arith.constant 0 : i32
        %swap3A_647 = arith.index_cast %rem3A_526 : i32 to index
        %swap3A_648 = arith.index_cast %swap3A_646 : i32 to index
        %swap3A_649 = arith.index_cast %scan3A_560 : i32 to index
        %swap3A_650 = arith.constant 64 : index
        %swap3A_651 = tpu.vector_load %arg7[%swap3A_647, %swap3A_648, %swap3A_649, %swap3A_650] {strides = array<i32>} : memref<2x4x32x128xf32, #tpu.memory_space<vmem>>, vector<1x1x1x16xf32>,
        %swap3A_652 = vector.shape_cast %swap3A_651 : vector<1x1x1x16xf32> to vector<16xf32>
        %swap3A_653 = vector.shape_cast %get3A_645 : vector<16xf32> to vector<1x1x1x16xf32>
        tpu.vector_store %arg7[%swap3A_647, %swap3A_648, %swap3A_649, %swap3A_650], %swap3A_653 {strides = array<i32>} : memref<2x4x32x128xf32, #tpu.memory_space<vmem>>, vector<1x1x1x16xf32>,
        %mul3A_654 = arith.constant 32 : i32
        %mul3A_655 = arith.muli %scan3A_525, %mul3A_654 : i32
        %add3A_656 = arith.addi %mul3A_655, %scan3A_560 : i32
        %mul3A_657 = arith.constant 26 : i32
        %mul3A_658 = arith.muli %add3A_656, %mul3A_657 : i32
        %add3A_659 = arith.constant 5 : i32
        %add3A_660 = arith.addi %mul3A_658, %add3A_659 : i32
        %get3A_661 = arith.index_cast %add3A_660 : i32 to index
        %get3A_662 = arith.constant 0 : index
        %get3A_663 = tpu.vector_load %arg6[%get3A_661, %get3A_662] {strides = array<i32>} : memref<3328x16xf32, #tpu.memory_space<vmem>>, vector<1x16xf32>,
        %get3A_664 = vector.shape_cast %get3A_663 : vector<1x16xf32> to vector<16xf32>
        %swap3A_665 = arith.constant 0 : i32
        %swap3A_666 = arith.index_cast %rem3A_526 : i32 to index
        %swap3A_667 = arith.index_cast %swap3A_665 : i32 to index
        %swap3A_668 = arith.index_cast %scan3A_560 : i32 to index
        %swap3A_669 = arith.constant 80 : index
        %swap3A_670 = tpu.vector_load %arg7[%swap3A_666, %swap3A_667, %swap3A_668, %swap3A_669] {strides = array<i32>} : memref<2x4x32x128xf32, #tpu.memory_space<vmem>>, vector<1x1x1x16xf32>,
        %swap3A_671 = vector.shape_cast %swap3A_670 : vector<1x1x1x16xf32> to vector<16xf32>
        %swap3A_672 = vector.shape_cast %get3A_664 : vector<16xf32> to vector<1x1x1x16xf32>
        tpu.vector_store %arg7[%swap3A_666, %swap3A_667, %swap3A_668, %swap3A_669], %swap3A_672 {strides = array<i32>} : memref<2x4x32x128xf32, #tpu.memory_space<vmem>>, vector<1x1x1x16xf32>,
        %mul3A_673 = arith.constant 32 : i32
        %mul3A_674 = arith.muli %scan3A_525, %mul3A_673 : i32
        %add3A_675 = arith.addi %mul3A_674, %scan3A_560 : i32
        %mul3A_676 = arith.constant 26 : i32
        %mul3A_677 = arith.muli %add3A_675, %mul3A_676 : i32
        %add3A_678 = arith.constant 6 : i32
        %add3A_679 = arith.addi %mul3A_677, %add3A_678 : i32
        %get3A_680 = arith.index_cast %add3A_679 : i32 to index
        %get3A_681 = arith.constant 0 : index
        %get3A_682 = tpu.vector_load %arg6[%get3A_680, %get3A_681] {strides = array<i32>} : memref<3328x16xf32, #tpu.memory_space<vmem>>, vector<1x16xf32>,
        %get3A_683 = vector.shape_cast %get3A_682 : vector<1x16xf32> to vector<16xf32>
        %swap3A_684 = arith.constant 0 : i32
        %swap3A_685 = arith.index_cast %rem3A_526 : i32 to index
        %swap3A_686 = arith.index_cast %swap3A_684 : i32 to index
        %swap3A_687 = arith.index_cast %scan3A_560 : i32 to index
        %swap3A_688 = arith.constant 96 : index
        %swap3A_689 = tpu.vector_load %arg7[%swap3A_685, %swap3A_686, %swap3A_687, %swap3A_688] {strides = array<i32>} : memref<2x4x32x128xf32, #tpu.memory_space<vmem>>, vector<1x1x1x16xf32>,
        %swap3A_690 = vector.shape_cast %swap3A_689 : vector<1x1x1x16xf32> to vector<16xf32>
        %swap3A_691 = vector.shape_cast %get3A_683 : vector<16xf32> to vector<1x1x1x16xf32>
        tpu.vector_store %arg7[%swap3A_685, %swap3A_686, %swap3A_687, %swap3A_688], %swap3A_691 {strides = array<i32>} : memref<2x4x32x128xf32, #tpu.memory_space<vmem>>, vector<1x1x1x16xf32>,
        %mul3A_692 = arith.constant 32 : i32
        %mul3A_693 = arith.muli %scan3A_525, %mul3A_692 : i32
        %add3A_694 = arith.addi %mul3A_693, %scan3A_560 : i32
        %mul3A_695 = arith.constant 26 : i32
        %mul3A_696 = arith.muli %add3A_694, %mul3A_695 : i32
        %add3A_697 = arith.constant 7 : i32
        %add3A_698 = arith.addi %mul3A_696, %add3A_697 : i32
        %get3A_699 = arith.index_cast %add3A_698 : i32 to index
        %get3A_700 = arith.constant 0 : index
        %get3A_701 = tpu.vector_load %arg6[%get3A_699, %get3A_700] {strides = array<i32>} : memref<3328x16xf32, #tpu.memory_space<vmem>>, vector<1x16xf32>,
        %get3A_702 = vector.shape_cast %get3A_701 : vector<1x16xf32> to vector<16xf32>
        %swap3A_703 = arith.constant 0 : i32
        %swap3A_704 = arith.index_cast %rem3A_526 : i32 to index
        %swap3A_705 = arith.index_cast %swap3A_703 : i32 to index
        %swap3A_706 = arith.index_cast %scan3A_560 : i32 to index
        %swap3A_707 = arith.constant 112 : index
        %swap3A_708 = tpu.vector_load %arg7[%swap3A_704, %swap3A_705, %swap3A_706, %swap3A_707] {strides = array<i32>} : memref<2x4x32x128xf32, #tpu.memory_space<vmem>>, vector<1x1x1x16xf32>,
        %swap3A_709 = vector.shape_cast %swap3A_708 : vector<1x1x1x16xf32> to vector<16xf32>
        %swap3A_710 = vector.shape_cast %get3A_702 : vector<16xf32> to vector<1x1x1x16xf32>
        tpu.vector_store %arg7[%swap3A_704, %swap3A_705, %swap3A_706, %swap3A_707], %swap3A_710 {strides = array<i32>} : memref<2x4x32x128xf32, #tpu.memory_space<vmem>>, vector<1x1x1x16xf32>,
        %mul3A_711 = arith.constant 32 : i32
        %mul3A_712 = arith.muli %scan3A_525, %mul3A_711 : i32
        %add3A_713 = arith.addi %mul3A_712, %scan3A_560 : i32
        %mul3A_714 = arith.constant 26 : i32
        %mul3A_715 = arith.muli %add3A_713, %mul3A_714 : i32
        %add3A_716 = arith.constant 8 : i32
        %add3A_717 = arith.addi %mul3A_715, %add3A_716 : i32
        %get3A_718 = arith.index_cast %add3A_717 : i32 to index
        %get3A_719 = arith.constant 0 : index
        %get3A_720 = tpu.vector_load %arg6[%get3A_718, %get3A_719] {strides = array<i32>} : memref<3328x16xf32, #tpu.memory_space<vmem>>, vector<1x16xf32>,
        %get3A_721 = vector.shape_cast %get3A_720 : vector<1x16xf32> to vector<16xf32>
        %swap3A_722 = arith.constant 1 : i32
        %swap3A_723 = arith.index_cast %rem3A_526 : i32 to index
        %swap3A_724 = arith.index_cast %swap3A_722 : i32 to index
        %swap3A_725 = arith.index_cast %scan3A_560 : i32 to index
        %swap3A_726 = arith.constant 0 : index
        %swap3A_727 = tpu.vector_load %arg7[%swap3A_723, %swap3A_724, %swap3A_725, %swap3A_726] {strides = array<i32>} : memref<2x4x32x128xf32, #tpu.memory_space<vmem>>, vector<1x1x1x16xf32>,
        %swap3A_728 = vector.shape_cast %swap3A_727 : vector<1x1x1x16xf32> to vector<16xf32>
        %swap3A_729 = vector.shape_cast %get3A_721 : vector<16xf32> to vector<1x1x1x16xf32>
        tpu.vector_store %arg7[%swap3A_723, %swap3A_724, %swap3A_725, %swap3A_726], %swap3A_729 {strides = array<i32>} : memref<2x4x32x128xf32, #tpu.memory_space<vmem>>, vector<1x1x1x16xf32>,
        %mul3A_730 = arith.constant 32 : i32
        %mul3A_731 = arith.muli %scan3A_525, %mul3A_730 : i32
        %add3A_732 = arith.addi %mul3A_731, %scan3A_560 : i32
        %mul3A_733 = arith.constant 26 : i32
        %mul3A_734 = arith.muli %add3A_732, %mul3A_733 : i32
        %add3A_735 = arith.constant 9 : i32
        %add3A_736 = arith.addi %mul3A_734, %add3A_735 : i32
        %get3A_737 = arith.index_cast %add3A_736 : i32 to index
        %get3A_738 = arith.constant 0 : index
        %get3A_739 = tpu.vector_load %arg6[%get3A_737, %get3A_738] {strides = array<i32>} : memref<3328x16xf32, #tpu.memory_space<vmem>>, vector<1x16xf32>,
        %get3A_740 = vector.shape_cast %get3A_739 : vector<1x16xf32> to vector<16xf32>
        %swap3A_741 = arith.constant 1 : i32
        %swap3A_742 = arith.index_cast %rem3A_526 : i32 to index
        %swap3A_743 = arith.index_cast %swap3A_741 : i32 to index
        %swap3A_744 = arith.index_cast %scan3A_560 : i32 to index
        %swap3A_745 = arith.constant 16 : index
        %swap3A_746 = tpu.vector_load %arg7[%swap3A_742, %swap3A_743, %swap3A_744, %swap3A_745] {strides = array<i32>} : memref<2x4x32x128xf32, #tpu.memory_space<vmem>>, vector<1x1x1x16xf32>,
        %swap3A_747 = vector.shape_cast %swap3A_746 : vector<1x1x1x16xf32> to vector<16xf32>
        %swap3A_748 = vector.shape_cast %get3A_740 : vector<16xf32> to vector<1x1x1x16xf32>
        tpu.vector_store %arg7[%swap3A_742, %swap3A_743, %swap3A_744, %swap3A_745], %swap3A_748 {strides = array<i32>} : memref<2x4x32x128xf32, #tpu.memory_space<vmem>>, vector<1x1x1x16xf32>,
        %mul3A_749 = arith.constant 32 : i32
        %mul3A_750 = arith.muli %scan3A_525, %mul3A_749 : i32
        %add3A_751 = arith.addi %mul3A_750, %scan3A_560 : i32
        %mul3A_752 = arith.constant 26 : i32
        %mul3A_753 = arith.muli %add3A_751, %mul3A_752 : i32
        %add3A_754 = arith.constant 10 : i32
        %add3A_755 = arith.addi %mul3A_753, %add3A_754 : i32
        %get3A_756 = arith.index_cast %add3A_755 : i32 to index
        %get3A_757 = arith.constant 0 : index
        %get3A_758 = tpu.vector_load %arg6[%get3A_756, %get3A_757] {strides = array<i32>} : memref<3328x16xf32, #tpu.memory_space<vmem>>, vector<1x16xf32>,
        %get3A_759 = vector.shape_cast %get3A_758 : vector<1x16xf32> to vector<16xf32>
        %swap3A_760 = arith.constant 1 : i32
        %swap3A_761 = arith.index_cast %rem3A_526 : i32 to index
        %swap3A_762 = arith.index_cast %swap3A_760 : i32 to index
        %swap3A_763 = arith.index_cast %scan3A_560 : i32 to index
        %swap3A_764 = arith.constant 32 : index
        %swap3A_765 = tpu.vector_load %arg7[%swap3A_761, %swap3A_762, %swap3A_763, %swap3A_764] {strides = array<i32>} : memref<2x4x32x128xf32, #tpu.memory_space<vmem>>, vector<1x1x1x16xf32>,
        %swap3A_766 = vector.shape_cast %swap3A_765 : vector<1x1x1x16xf32> to vector<16xf32>
        %swap3A_767 = vector.shape_cast %get3A_759 : vector<16xf32> to vector<1x1x1x16xf32>
        tpu.vector_store %arg7[%swap3A_761, %swap3A_762, %swap3A_763, %swap3A_764], %swap3A_767 {strides = array<i32>} : memref<2x4x32x128xf32, #tpu.memory_space<vmem>>, vector<1x1x1x16xf32>,
        %mul3A_768 = arith.constant 32 : i32
        %mul3A_769 = arith.muli %scan3A_525, %mul3A_768 : i32
        %add3A_770 = arith.addi %mul3A_769, %scan3A_560 : i32
        %mul3A_771 = arith.constant 26 : i32
        %mul3A_772 = arith.muli %add3A_770, %mul3A_771 : i32
        %add3A_773 = arith.constant 11 : i32
        %add3A_774 = arith.addi %mul3A_772, %add3A_773 : i32
        %get3A_775 = arith.index_cast %add3A_774 : i32 to index
        %get3A_776 = arith.constant 0 : index
        %get3A_777 = tpu.vector_load %arg6[%get3A_775, %get3A_776] {strides = array<i32>} : memref<3328x16xf32, #tpu.memory_space<vmem>>, vector<1x16xf32>,
        %get3A_778 = vector.shape_cast %get3A_777 : vector<1x16xf32> to vector<16xf32>
        %swap3A_779 = arith.constant 1 : i32
        %swap3A_780 = arith.index_cast %rem3A_526 : i32 to index
        %swap3A_781 = arith.index_cast %swap3A_779 : i32 to index
        %swap3A_782 = arith.index_cast %scan3A_560 : i32 to index
        %swap3A_783 = arith.constant 48 : index
        %swap3A_784 = tpu.vector_load %arg7[%swap3A_780, %swap3A_781, %swap3A_782, %swap3A_783] {strides = array<i32>} : memref<2x4x32x128xf32, #tpu.memory_space<vmem>>, vector<1x1x1x16xf32>,
        %swap3A_785 = vector.shape_cast %swap3A_784 : vector<1x1x1x16xf32> to vector<16xf32>
        %swap3A_786 = vector.shape_cast %get3A_778 : vector<16xf32> to vector<1x1x1x16xf32>
        tpu.vector_store %arg7[%swap3A_780, %swap3A_781, %swap3A_782, %swap3A_783], %swap3A_786 {strides = array<i32>} : memref<2x4x32x128xf32, #tpu.memory_space<vmem>>, vector<1x1x1x16xf32>,
        %mul3A_787 = arith.constant 32 : i32
        %mul3A_788 = arith.muli %scan3A_525, %mul3A_787 : i32
        %add3A_789 = arith.addi %mul3A_788, %scan3A_560 : i32
        %mul3A_790 = arith.constant 26 : i32
        %mul3A_791 = arith.muli %add3A_789, %mul3A_790 : i32
        %add3A_792 = arith.constant 12 : i32
        %add3A_793 = arith.addi %mul3A_791, %add3A_792 : i32
        %get3A_794 = arith.index_cast %add3A_793 : i32 to index
        %get3A_795 = arith.constant 0 : index
        %get3A_796 = tpu.vector_load %arg6[%get3A_794, %get3A_795] {strides = array<i32>} : memref<3328x16xf32, #tpu.memory_space<vmem>>, vector<1x16xf32>,
        %get3A_797 = vector.shape_cast %get3A_796 : vector<1x16xf32> to vector<16xf32>
        %swap3A_798 = arith.constant 1 : i32
        %swap3A_799 = arith.index_cast %rem3A_526 : i32 to index
        %swap3A_800 = arith.index_cast %swap3A_798 : i32 to index
        %swap3A_801 = arith.index_cast %scan3A_560 : i32 to index
        %swap3A_802 = arith.constant 64 : index
        %swap3A_803 = tpu.vector_load %arg7[%swap3A_799, %swap3A_800, %swap3A_801, %swap3A_802] {strides = array<i32>} : memref<2x4x32x128xf32, #tpu.memory_space<vmem>>, vector<1x1x1x16xf32>,
        %swap3A_804 = vector.shape_cast %swap3A_803 : vector<1x1x1x16xf32> to vector<16xf32>
        %swap3A_805 = vector.shape_cast %get3A_797 : vector<16xf32> to vector<1x1x1x16xf32>
        tpu.vector_store %arg7[%swap3A_799, %swap3A_800, %swap3A_801, %swap3A_802], %swap3A_805 {strides = array<i32>} : memref<2x4x32x128xf32, #tpu.memory_space<vmem>>, vector<1x1x1x16xf32>,
        %mul3A_806 = arith.constant 32 : i32
        %mul3A_807 = arith.muli %scan3A_525, %mul3A_806 : i32
        %add3A_808 = arith.addi %mul3A_807, %scan3A_560 : i32
        %mul3A_809 = arith.constant 26 : i32
        %mul3A_810 = arith.muli %add3A_808, %mul3A_809 : i32
        %add3A_811 = arith.constant 13 : i32
        %add3A_812 = arith.addi %mul3A_810, %add3A_811 : i32
        %get3A_813 = arith.index_cast %add3A_812 : i32 to index
        %get3A_814 = arith.constant 0 : index
        %get3A_815 = tpu.vector_load %arg6[%get3A_813, %get3A_814] {strides = array<i32>} : memref<3328x16xf32, #tpu.memory_space<vmem>>, vector<1x16xf32>,
        %get3A_816 = vector.shape_cast %get3A_815 : vector<1x16xf32> to vector<16xf32>
        %swap3A_817 = arith.constant 1 : i32
        %swap3A_818 = arith.index_cast %rem3A_526 : i32 to index
        %swap3A_819 = arith.index_cast %swap3A_817 : i32 to index
        %swap3A_820 = arith.index_cast %scan3A_560 : i32 to index
        %swap3A_821 = arith.constant 80 : index
        %swap3A_822 = tpu.vector_load %arg7[%swap3A_818, %swap3A_819, %swap3A_820, %swap3A_821] {strides = array<i32>} : memref<2x4x32x128xf32, #tpu.memory_space<vmem>>, vector<1x1x1x16xf32>,
        %swap3A_823 = vector.shape_cast %swap3A_822 : vector<1x1x1x16xf32> to vector<16xf32>
        %swap3A_824 = vector.shape_cast %get3A_816 : vector<16xf32> to vector<1x1x1x16xf32>
        tpu.vector_store %arg7[%swap3A_818, %swap3A_819, %swap3A_820, %swap3A_821], %swap3A_824 {strides = array<i32>} : memref<2x4x32x128xf32, #tpu.memory_space<vmem>>, vector<1x1x1x16xf32>,
        %mul3A_825 = arith.constant 32 : i32
        %mul3A_826 = arith.muli %scan3A_525, %mul3A_825 : i32
        %add3A_827 = arith.addi %mul3A_826, %scan3A_560 : i32
        %mul3A_828 = arith.constant 26 : i32
        %mul3A_829 = arith.muli %add3A_827, %mul3A_828 : i32
        %add3A_830 = arith.constant 14 : i32
        %add3A_831 = arith.addi %mul3A_829, %add3A_830 : i32
        %get3A_832 = arith.index_cast %add3A_831 : i32 to index
        %get3A_833 = arith.constant 0 : index
        %get3A_834 = tpu.vector_load %arg6[%get3A_832, %get3A_833] {strides = array<i32>} : memref<3328x16xf32, #tpu.memory_space<vmem>>, vector<1x16xf32>,
        %get3A_835 = vector.shape_cast %get3A_834 : vector<1x16xf32> to vector<16xf32>
        %swap3A_836 = arith.constant 1 : i32
        %swap3A_837 = arith.index_cast %rem3A_526 : i32 to index
        %swap3A_838 = arith.index_cast %swap3A_836 : i32 to index
        %swap3A_839 = arith.index_cast %scan3A_560 : i32 to index
        %swap3A_840 = arith.constant 96 : index
        %swap3A_841 = tpu.vector_load %arg7[%swap3A_837, %swap3A_838, %swap3A_839, %swap3A_840] {strides = array<i32>} : memref<2x4x32x128xf32, #tpu.memory_space<vmem>>, vector<1x1x1x16xf32>,
        %swap3A_842 = vector.shape_cast %swap3A_841 : vector<1x1x1x16xf32> to vector<16xf32>
        %swap3A_843 = vector.shape_cast %get3A_835 : vector<16xf32> to vector<1x1x1x16xf32>
        tpu.vector_store %arg7[%swap3A_837, %swap3A_838, %swap3A_839, %swap3A_840], %swap3A_843 {strides = array<i32>} : memref<2x4x32x128xf32, #tpu.memory_space<vmem>>, vector<1x1x1x16xf32>,
        %mul3A_844 = arith.constant 32 : i32
        %mul3A_845 = arith.muli %scan3A_525, %mul3A_844 : i32
        %add3A_846 = arith.addi %mul3A_845, %scan3A_560 : i32
        %mul3A_847 = arith.constant 26 : i32
        %mul3A_848 = arith.muli %add3A_846, %mul3A_847 : i32
        %add3A_849 = arith.constant 15 : i32
        %add3A_850 = arith.addi %mul3A_848, %add3A_849 : i32
        %get3A_851 = arith.index_cast %add3A_850 : i32 to index
        %get3A_852 = arith.constant 0 : index
        %get3A_853 = tpu.vector_load %arg6[%get3A_851, %get3A_852] {strides = array<i32>} : memref<3328x16xf32, #tpu.memory_space<vmem>>, vector<1x16xf32>,
        %get3A_854 = vector.shape_cast %get3A_853 : vector<1x16xf32> to vector<16xf32>
        %swap3A_855 = arith.constant 1 : i32
        %swap3A_856 = arith.index_cast %rem3A_526 : i32 to index
        %swap3A_857 = arith.index_cast %swap3A_855 : i32 to index
        %swap3A_858 = arith.index_cast %scan3A_560 : i32 to index
        %swap3A_859 = arith.constant 112 : index
        %swap3A_860 = tpu.vector_load %arg7[%swap3A_856, %swap3A_857, %swap3A_858, %swap3A_859] {strides = array<i32>} : memref<2x4x32x128xf32, #tpu.memory_space<vmem>>, vector<1x1x1x16xf32>,
        %swap3A_861 = vector.shape_cast %swap3A_860 : vector<1x1x1x16xf32> to vector<16xf32>
        %swap3A_862 = vector.shape_cast %get3A_854 : vector<16xf32> to vector<1x1x1x16xf32>
        tpu.vector_store %arg7[%swap3A_856, %swap3A_857, %swap3A_858, %swap3A_859], %swap3A_862 {strides = array<i32>} : memref<2x4x32x128xf32, #tpu.memory_space<vmem>>, vector<1x1x1x16xf32>,
        %mul3A_863 = arith.constant 32 : i32
        %mul3A_864 = arith.muli %scan3A_525, %mul3A_863 : i32
        %add3A_865 = arith.addi %mul3A_864, %scan3A_560 : i32
        %mul3A_866 = arith.constant 26 : i32
        %mul3A_867 = arith.muli %add3A_865, %mul3A_866 : i32
        %add3A_868 = arith.constant 16 : i32
        %add3A_869 = arith.addi %mul3A_867, %add3A_868 : i32
        %get3A_870 = arith.index_cast %add3A_869 : i32 to index
        %get3A_871 = arith.constant 0 : index
        %get3A_872 = tpu.vector_load %arg6[%get3A_870, %get3A_871] {strides = array<i32>} : memref<3328x16xf32, #tpu.memory_space<vmem>>, vector<1x16xf32>,
        %get3A_873 = vector.shape_cast %get3A_872 : vector<1x16xf32> to vector<16xf32>
        %swap3A_874 = arith.constant 2 : i32
        %swap3A_875 = arith.index_cast %rem3A_526 : i32 to index
        %swap3A_876 = arith.index_cast %swap3A_874 : i32 to index
        %swap3A_877 = arith.index_cast %scan3A_560 : i32 to index
        %swap3A_878 = arith.constant 0 : index
        %swap3A_879 = tpu.vector_load %arg7[%swap3A_875, %swap3A_876, %swap3A_877, %swap3A_878] {strides = array<i32>} : memref<2x4x32x128xf32, #tpu.memory_space<vmem>>, vector<1x1x1x16xf32>,
        %swap3A_880 = vector.shape_cast %swap3A_879 : vector<1x1x1x16xf32> to vector<16xf32>
        %swap3A_881 = vector.shape_cast %get3A_873 : vector<16xf32> to vector<1x1x1x16xf32>
        tpu.vector_store %arg7[%swap3A_875, %swap3A_876, %swap3A_877, %swap3A_878], %swap3A_881 {strides = array<i32>} : memref<2x4x32x128xf32, #tpu.memory_space<vmem>>, vector<1x1x1x16xf32>,
        %mul3A_882 = arith.constant 32 : i32
        %mul3A_883 = arith.muli %scan3A_525, %mul3A_882 : i32
        %add3A_884 = arith.addi %mul3A_883, %scan3A_560 : i32
        %mul3A_885 = arith.constant 26 : i32
        %mul3A_886 = arith.muli %add3A_884, %mul3A_885 : i32
        %add3A_887 = arith.constant 17 : i32
        %add3A_888 = arith.addi %mul3A_886, %add3A_887 : i32
        %get3A_889 = arith.index_cast %add3A_888 : i32 to index
        %get3A_890 = arith.constant 0 : index
        %get3A_891 = tpu.vector_load %arg6[%get3A_889, %get3A_890] {strides = array<i32>} : memref<3328x16xf32, #tpu.memory_space<vmem>>, vector<1x16xf32>,
        %get3A_892 = vector.shape_cast %get3A_891 : vector<1x16xf32> to vector<16xf32>
        %swap3A_893 = arith.constant 2 : i32
        %swap3A_894 = arith.index_cast %rem3A_526 : i32 to index
        %swap3A_895 = arith.index_cast %swap3A_893 : i32 to index
        %swap3A_896 = arith.index_cast %scan3A_560 : i32 to index
        %swap3A_897 = arith.constant 16 : index
        %swap3A_898 = tpu.vector_load %arg7[%swap3A_894, %swap3A_895, %swap3A_896, %swap3A_897] {strides = array<i32>} : memref<2x4x32x128xf32, #tpu.memory_space<vmem>>, vector<1x1x1x16xf32>,
        %swap3A_899 = vector.shape_cast %swap3A_898 : vector<1x1x1x16xf32> to vector<16xf32>
        %swap3A_900 = vector.shape_cast %get3A_892 : vector<16xf32> to vector<1x1x1x16xf32>
        tpu.vector_store %arg7[%swap3A_894, %swap3A_895, %swap3A_896, %swap3A_897], %swap3A_900 {strides = array<i32>} : memref<2x4x32x128xf32, #tpu.memory_space<vmem>>, vector<1x1x1x16xf32>,
        %mul3A_901 = arith.constant 32 : i32
        %mul3A_902 = arith.muli %scan3A_525, %mul3A_901 : i32
        %add3A_903 = arith.addi %mul3A_902, %scan3A_560 : i32
        %mul3A_904 = arith.constant 26 : i32
        %mul3A_905 = arith.muli %add3A_903, %mul3A_904 : i32
        %add3A_906 = arith.constant 18 : i32
        %add3A_907 = arith.addi %mul3A_905, %add3A_906 : i32
        %get3A_908 = arith.index_cast %add3A_907 : i32 to index
        %get3A_909 = arith.constant 0 : index
        %get3A_910 = tpu.vector_load %arg6[%get3A_908, %get3A_909] {strides = array<i32>} : memref<3328x16xf32, #tpu.memory_space<vmem>>, vector<1x16xf32>,
        %get3A_911 = vector.shape_cast %get3A_910 : vector<1x16xf32> to vector<16xf32>
        %swap3A_912 = arith.constant 2 : i32
        %swap3A_913 = arith.index_cast %rem3A_526 : i32 to index
        %swap3A_914 = arith.index_cast %swap3A_912 : i32 to index
        %swap3A_915 = arith.index_cast %scan3A_560 : i32 to index
        %swap3A_916 = arith.constant 32 : index
        %swap3A_917 = tpu.vector_load %arg7[%swap3A_913, %swap3A_914, %swap3A_915, %swap3A_916] {strides = array<i32>} : memref<2x4x32x128xf32, #tpu.memory_space<vmem>>, vector<1x1x1x16xf32>,
        %swap3A_918 = vector.shape_cast %swap3A_917 : vector<1x1x1x16xf32> to vector<16xf32>
        %swap3A_919 = vector.shape_cast %get3A_911 : vector<16xf32> to vector<1x1x1x16xf32>
        tpu.vector_store %arg7[%swap3A_913, %swap3A_914, %swap3A_915, %swap3A_916], %swap3A_919 {strides = array<i32>} : memref<2x4x32x128xf32, #tpu.memory_space<vmem>>, vector<1x1x1x16xf32>,
        %mul3A_920 = arith.constant 32 : i32
        %mul3A_921 = arith.muli %scan3A_525, %mul3A_920 : i32
        %add3A_922 = arith.addi %mul3A_921, %scan3A_560 : i32
        %mul3A_923 = arith.constant 26 : i32
        %mul3A_924 = arith.muli %add3A_922, %mul3A_923 : i32
        %add3A_925 = arith.constant 19 : i32
        %add3A_926 = arith.addi %mul3A_924, %add3A_925 : i32
        %get3A_927 = arith.index_cast %add3A_926 : i32 to index
        %get3A_928 = arith.constant 0 : index
        %get3A_929 = tpu.vector_load %arg6[%get3A_927, %get3A_928] {strides = array<i32>} : memref<3328x16xf32, #tpu.memory_space<vmem>>, vector<1x16xf32>,
        %get3A_930 = vector.shape_cast %get3A_929 : vector<1x16xf32> to vector<16xf32>
        %swap3A_931 = arith.constant 2 : i32
        %swap3A_932 = arith.index_cast %rem3A_526 : i32 to index
        %swap3A_933 = arith.index_cast %swap3A_931 : i32 to index
        %swap3A_934 = arith.index_cast %scan3A_560 : i32 to index
        %swap3A_935 = arith.constant 48 : index
        %swap3A_936 = tpu.vector_load %arg7[%swap3A_932, %swap3A_933, %swap3A_934, %swap3A_935] {strides = array<i32>} : memref<2x4x32x128xf32, #tpu.memory_space<vmem>>, vector<1x1x1x16xf32>,
        %swap3A_937 = vector.shape_cast %swap3A_936 : vector<1x1x1x16xf32> to vector<16xf32>
        %swap3A_938 = vector.shape_cast %get3A_930 : vector<16xf32> to vector<1x1x1x16xf32>
        tpu.vector_store %arg7[%swap3A_932, %swap3A_933, %swap3A_934, %swap3A_935], %swap3A_938 {strides = array<i32>} : memref<2x4x32x128xf32, #tpu.memory_space<vmem>>, vector<1x1x1x16xf32>,
        %mul3A_939 = arith.constant 32 : i32
        %mul3A_940 = arith.muli %scan3A_525, %mul3A_939 : i32
        %add3A_941 = arith.addi %mul3A_940, %scan3A_560 : i32
        %mul3A_942 = arith.constant 26 : i32
        %mul3A_943 = arith.muli %add3A_941, %mul3A_942 : i32
        %add3A_944 = arith.constant 20 : i32
        %add3A_945 = arith.addi %mul3A_943, %add3A_944 : i32
        %get3A_946 = arith.index_cast %add3A_945 : i32 to index
        %get3A_947 = arith.constant 0 : index
        %get3A_948 = tpu.vector_load %arg6[%get3A_946, %get3A_947] {strides = array<i32>} : memref<3328x16xf32, #tpu.memory_space<vmem>>, vector<1x16xf32>,
        %get3A_949 = vector.shape_cast %get3A_948 : vector<1x16xf32> to vector<16xf32>
        %swap3A_950 = arith.constant 2 : i32
        %swap3A_951 = arith.index_cast %rem3A_526 : i32 to index
        %swap3A_952 = arith.index_cast %swap3A_950 : i32 to index
        %swap3A_953 = arith.index_cast %scan3A_560 : i32 to index
        %swap3A_954 = arith.constant 64 : index
        %swap3A_955 = tpu.vector_load %arg7[%swap3A_951, %swap3A_952, %swap3A_953, %swap3A_954] {strides = array<i32>} : memref<2x4x32x128xf32, #tpu.memory_space<vmem>>, vector<1x1x1x16xf32>,
        %swap3A_956 = vector.shape_cast %swap3A_955 : vector<1x1x1x16xf32> to vector<16xf32>
        %swap3A_957 = vector.shape_cast %get3A_949 : vector<16xf32> to vector<1x1x1x16xf32>
        tpu.vector_store %arg7[%swap3A_951, %swap3A_952, %swap3A_953, %swap3A_954], %swap3A_957 {strides = array<i32>} : memref<2x4x32x128xf32, #tpu.memory_space<vmem>>, vector<1x1x1x16xf32>,
        %mul3A_958 = arith.constant 32 : i32
        %mul3A_959 = arith.muli %scan3A_525, %mul3A_958 : i32
        %add3A_960 = arith.addi %mul3A_959, %scan3A_560 : i32
        %mul3A_961 = arith.constant 26 : i32
        %mul3A_962 = arith.muli %add3A_960, %mul3A_961 : i32
        %add3A_963 = arith.constant 21 : i32
        %add3A_964 = arith.addi %mul3A_962, %add3A_963 : i32
        %get3A_965 = arith.index_cast %add3A_964 : i32 to index
        %get3A_966 = arith.constant 0 : index
        %get3A_967 = tpu.vector_load %arg6[%get3A_965, %get3A_966] {strides = array<i32>} : memref<3328x16xf32, #tpu.memory_space<vmem>>, vector<1x16xf32>,
        %get3A_968 = vector.shape_cast %get3A_967 : vector<1x16xf32> to vector<16xf32>
        %swap3A_969 = arith.constant 2 : i32
        %swap3A_970 = arith.index_cast %rem3A_526 : i32 to index
        %swap3A_971 = arith.index_cast %swap3A_969 : i32 to index
        %swap3A_972 = arith.index_cast %scan3A_560 : i32 to index
        %swap3A_973 = arith.constant 80 : index
        %swap3A_974 = tpu.vector_load %arg7[%swap3A_970, %swap3A_971, %swap3A_972, %swap3A_973] {strides = array<i32>} : memref<2x4x32x128xf32, #tpu.memory_space<vmem>>, vector<1x1x1x16xf32>,
        %swap3A_975 = vector.shape_cast %swap3A_974 : vector<1x1x1x16xf32> to vector<16xf32>
        %swap3A_976 = vector.shape_cast %get3A_968 : vector<16xf32> to vector<1x1x1x16xf32>
        tpu.vector_store %arg7[%swap3A_970, %swap3A_971, %swap3A_972, %swap3A_973], %swap3A_976 {strides = array<i32>} : memref<2x4x32x128xf32, #tpu.memory_space<vmem>>, vector<1x1x1x16xf32>,
        %mul3A_977 = arith.constant 32 : i32
        %mul3A_978 = arith.muli %scan3A_525, %mul3A_977 : i32
        %add3A_979 = arith.addi %mul3A_978, %scan3A_560 : i32
        %mul3A_980 = arith.constant 26 : i32
        %mul3A_981 = arith.muli %add3A_979, %mul3A_980 : i32
        %add3A_982 = arith.constant 22 : i32
        %add3A_983 = arith.addi %mul3A_981, %add3A_982 : i32
        %get3A_984 = arith.index_cast %add3A_983 : i32 to index
        %get3A_985 = arith.constant 0 : index
        %get3A_986 = tpu.vector_load %arg6[%get3A_984, %get3A_985] {strides = array<i32>} : memref<3328x16xf32, #tpu.memory_space<vmem>>, vector<1x16xf32>,
        %get3A_987 = vector.shape_cast %get3A_986 : vector<1x16xf32> to vector<16xf32>
        %swap3A_988 = arith.constant 2 : i32
        %swap3A_989 = arith.index_cast %rem3A_526 : i32 to index
        %swap3A_990 = arith.index_cast %swap3A_988 : i32 to index
        %swap3A_991 = arith.index_cast %scan3A_560 : i32 to index
        %swap3A_992 = arith.constant 96 : index
        %swap3A_993 = tpu.vector_load %arg7[%swap3A_989, %swap3A_990, %swap3A_991, %swap3A_992] {strides = array<i32>} : memref<2x4x32x128xf32, #tpu.memory_space<vmem>>, vector<1x1x1x16xf32>,
        %swap3A_994 = vector.shape_cast %swap3A_993 : vector<1x1x1x16xf32> to vector<16xf32>
        %swap3A_995 = vector.shape_cast %get3A_987 : vector<16xf32> to vector<1x1x1x16xf32>
        tpu.vector_store %arg7[%swap3A_989, %swap3A_990, %swap3A_991, %swap3A_992], %swap3A_995 {strides = array<i32>} : memref<2x4x32x128xf32, #tpu.memory_space<vmem>>, vector<1x1x1x16xf32>,
        %mul3A_996 = arith.constant 32 : i32
        %mul3A_997 = arith.muli %scan3A_525, %mul3A_996 : i32
        %add3A_998 = arith.addi %mul3A_997, %scan3A_560 : i32
        %mul3A_999 = arith.constant 26 : i32
        %mul3A_1000 = arith.muli %add3A_998, %mul3A_999 : i32
        %add3A_1001 = arith.constant 23 : i32
        %add3A_1002 = arith.addi %mul3A_1000, %add3A_1001 : i32
        %get3A_1003 = arith.index_cast %add3A_1002 : i32 to index
        %get3A_1004 = arith.constant 0 : index
        %get3A_1005 = tpu.vector_load %arg6[%get3A_1003, %get3A_1004] {strides = array<i32>} : memref<3328x16xf32, #tpu.memory_space<vmem>>, vector<1x16xf32>,
        %get3A_1006 = vector.shape_cast %get3A_1005 : vector<1x16xf32> to vector<16xf32>
        %swap3A_1007 = arith.constant 2 : i32
        %swap3A_1008 = arith.index_cast %rem3A_526 : i32 to index
        %swap3A_1009 = arith.index_cast %swap3A_1007 : i32 to index
        %swap3A_1010 = arith.index_cast %scan3A_560 : i32 to index
        %swap3A_1011 = arith.constant 112 : index
        %swap3A_1012 = tpu.vector_load %arg7[%swap3A_1008, %swap3A_1009, %swap3A_1010, %swap3A_1011] {strides = array<i32>} : memref<2x4x32x128xf32, #tpu.memory_space<vmem>>, vector<1x1x1x16xf32>,
        %swap3A_1013 = vector.shape_cast %swap3A_1012 : vector<1x1x1x16xf32> to vector<16xf32>
        %swap3A_1014 = vector.shape_cast %get3A_1006 : vector<16xf32> to vector<1x1x1x16xf32>
        tpu.vector_store %arg7[%swap3A_1008, %swap3A_1009, %swap3A_1010, %swap3A_1011], %swap3A_1014 {strides = array<i32>} : memref<2x4x32x128xf32, #tpu.memory_space<vmem>>, vector<1x1x1x16xf32>,
        %mul3A_1015 = arith.constant 32 : i32
        %mul3A_1016 = arith.muli %scan3A_525, %mul3A_1015 : i32
        %add3A_1017 = arith.addi %mul3A_1016, %scan3A_560 : i32
        %mul3A_1018 = arith.constant 26 : i32
        %mul3A_1019 = arith.muli %add3A_1017, %mul3A_1018 : i32
        %add3A_1020 = arith.constant 24 : i32
        %add3A_1021 = arith.addi %mul3A_1019, %add3A_1020 : i32
        %get3A_1022 = arith.index_cast %add3A_1021 : i32 to index
        %get3A_1023 = arith.constant 0 : index
        %get3A_1024 = tpu.vector_load %arg6[%get3A_1022, %get3A_1023] {strides = array<i32>} : memref<3328x16xf32, #tpu.memory_space<vmem>>, vector<1x16xf32>,
        %get3A_1025 = vector.shape_cast %get3A_1024 : vector<1x16xf32> to vector<16xf32>
        %swap3A_1026 = arith.constant 3 : i32
        %swap3A_1027 = arith.index_cast %rem3A_526 : i32 to index
        %swap3A_1028 = arith.index_cast %swap3A_1026 : i32 to index
        %swap3A_1029 = arith.index_cast %scan3A_560 : i32 to index
        %swap3A_1030 = arith.constant 0 : index
        %swap3A_1031 = tpu.vector_load %arg7[%swap3A_1027, %swap3A_1028, %swap3A_1029, %swap3A_1030] {strides = array<i32>} : memref<2x4x32x128xf32, #tpu.memory_space<vmem>>, vector<1x1x1x16xf32>,
        %swap3A_1032 = vector.shape_cast %swap3A_1031 : vector<1x1x1x16xf32> to vector<16xf32>
        %swap3A_1033 = vector.shape_cast %get3A_1025 : vector<16xf32> to vector<1x1x1x16xf32>
        tpu.vector_store %arg7[%swap3A_1027, %swap3A_1028, %swap3A_1029, %swap3A_1030], %swap3A_1033 {strides = array<i32>} : memref<2x4x32x128xf32, #tpu.memory_space<vmem>>, vector<1x1x1x16xf32>,
        %mul3A_1034 = arith.constant 32 : i32
        %mul3A_1035 = arith.muli %scan3A_525, %mul3A_1034 : i32
        %add3A_1036 = arith.addi %mul3A_1035, %scan3A_560 : i32
        %mul3A_1037 = arith.constant 26 : i32
        %mul3A_1038 = arith.muli %add3A_1036, %mul3A_1037 : i32
        %add3A_1039 = arith.constant 25 : i32
        %add3A_1040 = arith.addi %mul3A_1038, %add3A_1039 : i32
        %get3A_1041 = arith.index_cast %add3A_1040 : i32 to index
        %get3A_1042 = arith.constant 0 : index
        %get3A_1043 = tpu.vector_load %arg6[%get3A_1041, %get3A_1042] {strides = array<i32>} : memref<3328x16xf32, #tpu.memory_space<vmem>>, vector<1x16xf32>,
        %get3A_1044 = vector.shape_cast %get3A_1043 : vector<1x16xf32> to vector<16xf32>
        %swap3A_1045 = arith.constant 3 : i32
        %swap3A_1046 = arith.index_cast %rem3A_526 : i32 to index
        %swap3A_1047 = arith.index_cast %swap3A_1045 : i32 to index
        %swap3A_1048 = arith.index_cast %scan3A_560 : i32 to index
        %swap3A_1049 = arith.constant 16 : index
        %swap3A_1050 = tpu.vector_load %arg7[%swap3A_1046, %swap3A_1047, %swap3A_1048, %swap3A_1049] {strides = array<i32>} : memref<2x4x32x128xf32, #tpu.memory_space<vmem>>, vector<1x1x1x16xf32>,
        %swap3A_1051 = vector.shape_cast %swap3A_1050 : vector<1x1x1x16xf32> to vector<16xf32>
        %swap3A_1052 = vector.shape_cast %get3A_1044 : vector<16xf32> to vector<1x1x1x16xf32>
        tpu.vector_store %arg7[%swap3A_1046, %swap3A_1047, %swap3A_1048, %swap3A_1049], %swap3A_1052 {strides = array<i32>} : memref<2x4x32x128xf32, #tpu.memory_space<vmem>>, vector<1x1x1x16xf32>,
        %swap3A_1053 = arith.constant 3 : i32
        %swap3A_1054 = arith.index_cast %rem3A_526 : i32 to index
        %swap3A_1055 = arith.index_cast %swap3A_1053 : i32 to index
        %swap3A_1056 = arith.index_cast %scan3A_560 : i32 to index
        %swap3A_1057 = arith.constant 32 : index
        %swap3A_1058 = tpu.vector_load %arg7[%swap3A_1054, %swap3A_1055, %swap3A_1056, %swap3A_1057] {strides = array<i32>} : memref<2x4x32x128xf32, #tpu.memory_space<vmem>>, vector<1x1x1x16xf32>,
        %swap3A_1059 = vector.shape_cast %swap3A_1058 : vector<1x1x1x16xf32> to vector<16xf32>
        %swap3A_1060 = vector.shape_cast %broadcast_in_dim3A_519 : vector<16xf32> to vector<1x1x1x16xf32>
        tpu.vector_store %arg7[%swap3A_1054, %swap3A_1055, %swap3A_1056, %swap3A_1057], %swap3A_1060 {strides = array<i32>} : memref<2x4x32x128xf32, #tpu.memory_space<vmem>>, vector<1x1x1x16xf32>,
        %swap3A_1061 = arith.constant 3 : i32
        %swap3A_1062 = arith.index_cast %rem3A_526 : i32 to index
        %swap3A_1063 = arith.index_cast %swap3A_1061 : i32 to index
        %swap3A_1064 = arith.index_cast %scan3A_560 : i32 to index
        %swap3A_1065 = arith.constant 48 : index
        %swap3A_1066 = tpu.vector_load %arg7[%swap3A_1062, %swap3A_1063, %swap3A_1064, %swap3A_1065] {strides = array<i32>} : memref<2x4x32x128xf32, #tpu.memory_space<vmem>>, vector<1x1x1x16xf32>,
        %swap3A_1067 = vector.shape_cast %swap3A_1066 : vector<1x1x1x16xf32> to vector<16xf32>
        %swap3A_1068 = vector.shape_cast %broadcast_in_dim3A_519 : vector<16xf32> to vector<1x1x1x16xf32>
        tpu.vector_store %arg7[%swap3A_1062, %swap3A_1063, %swap3A_1064, %swap3A_1065], %swap3A_1068 {strides = array<i32>} : memref<2x4x32x128xf32, #tpu.memory_space<vmem>>, vector<1x1x1x16xf32>,
        %swap3A_1069 = arith.constant 3 : i32
        %swap3A_1070 = arith.index_cast %rem3A_526 : i32 to index
        %swap3A_1071 = arith.index_cast %swap3A_1069 : i32 to index
        %swap3A_1072 = arith.index_cast %scan3A_560 : i32 to index
        %swap3A_1073 = arith.constant 64 : index
        %swap3A_1074 = tpu.vector_load %arg7[%swap3A_1070, %swap3A_1071, %swap3A_1072, %swap3A_1073] {strides = array<i32>} : memref<2x4x32x128xf32, #tpu.memory_space<vmem>>, vector<1x1x1x16xf32>,
        %swap3A_1075 = vector.shape_cast %swap3A_1074 : vector<1x1x1x16xf32> to vector<16xf32>
        %swap3A_1076 = vector.shape_cast %broadcast_in_dim3A_519 : vector<16xf32> to vector<1x1x1x16xf32>
        tpu.vector_store %arg7[%swap3A_1070, %swap3A_1071, %swap3A_1072, %swap3A_1073], %swap3A_1076 {strides = array<i32>} : memref<2x4x32x128xf32, #tpu.memory_space<vmem>>, vector<1x1x1x16xf32>,
        %swap3A_1077 = arith.constant 3 : i32
        %swap3A_1078 = arith.index_cast %rem3A_526 : i32 to index
        %swap3A_1079 = arith.index_cast %swap3A_1077 : i32 to index
        %swap3A_1080 = arith.index_cast %scan3A_560 : i32 to index
        %swap3A_1081 = arith.constant 80 : index
        %swap3A_1082 = tpu.vector_load %arg7[%swap3A_1078, %swap3A_1079, %swap3A_1080, %swap3A_1081] {strides = array<i32>} : memref<2x4x32x128xf32, #tpu.memory_space<vmem>>, vector<1x1x1x16xf32>,
        %swap3A_1083 = vector.shape_cast %swap3A_1082 : vector<1x1x1x16xf32> to vector<16xf32>
        %swap3A_1084 = vector.shape_cast %broadcast_in_dim3A_519 : vector<16xf32> to vector<1x1x1x16xf32>
        tpu.vector_store %arg7[%swap3A_1078, %swap3A_1079, %swap3A_1080, %swap3A_1081], %swap3A_1084 {strides = array<i32>} : memref<2x4x32x128xf32, #tpu.memory_space<vmem>>, vector<1x1x1x16xf32>,
        %swap3A_1085 = arith.constant 3 : i32
        %swap3A_1086 = arith.index_cast %rem3A_526 : i32 to index
        %swap3A_1087 = arith.index_cast %swap3A_1085 : i32 to index
        %swap3A_1088 = arith.index_cast %scan3A_560 : i32 to index
        %swap3A_1089 = arith.constant 96 : index
        %swap3A_1090 = tpu.vector_load %arg7[%swap3A_1086, %swap3A_1087, %swap3A_1088, %swap3A_1089] {strides = array<i32>} : memref<2x4x32x128xf32, #tpu.memory_space<vmem>>, vector<1x1x1x16xf32>,
        %swap3A_1091 = vector.shape_cast %swap3A_1090 : vector<1x1x1x16xf32> to vector<16xf32>
        %swap3A_1092 = vector.shape_cast %broadcast_in_dim3A_519 : vector<16xf32> to vector<1x1x1x16xf32>
        tpu.vector_store %arg7[%swap3A_1086, %swap3A_1087, %swap3A_1088, %swap3A_1089], %swap3A_1092 {strides = array<i32>} : memref<2x4x32x128xf32, #tpu.memory_space<vmem>>, vector<1x1x1x16xf32>,
        %swap3A_1093 = arith.constant 3 : i32
        %swap3A_1094 = arith.index_cast %rem3A_526 : i32 to index
        %swap3A_1095 = arith.index_cast %swap3A_1093 : i32 to index
        %swap3A_1096 = arith.index_cast %scan3A_560 : i32 to index
        %swap3A_1097 = arith.constant 112 : index
        %swap3A_1098 = tpu.vector_load %arg7[%swap3A_1094, %swap3A_1095, %swap3A_1096, %swap3A_1097] {strides = array<i32>} : memref<2x4x32x128xf32, #tpu.memory_space<vmem>>, vector<1x1x1x16xf32>,
        %swap3A_1099 = vector.shape_cast %swap3A_1098 : vector<1x1x1x16xf32> to vector<16xf32>
        %swap3A_1100 = vector.shape_cast %broadcast_in_dim3A_519 : vector<16xf32> to vector<1x1x1x16xf32>
        tpu.vector_store %arg7[%swap3A_1094, %swap3A_1095, %swap3A_1096, %swap3A_1097], %swap3A_1100 {strides = array<i32>} : memref<2x4x32x128xf32, #tpu.memory_space<vmem>>, vector<1x1x1x16xf32>,
      }
      %scan3A_532 = arith.constant 32 : i32
      %mul3A_533 = arith.constant 128 : i32
      %mul3A_534 = arith.muli %add3A, %mul3A_533 : i32
      %mul3A_535 = arith.constant 32 : i32
      %mul3A_536 = arith.muli %scan3A_525, %mul3A_535 : i32
      %add3A_537 = arith.addi %mul3A_534, %mul3A_536 : i32
      %run_scoped3A = arith.constant 0 : i32
      %run_scoped3A_538 = arith.constant 0 : i32
      "tpu.region"() ({
        %run_scoped3A_560 = tpu.sem_alloc : memref<!tpu.dma_semaphore, #tpu.memory_space<semaphore_mem>>
        %dma_start3A_561 = arith.constant 0 : i32
        %dma_start3A_562 = arith.constant 0 : i32
        %dma_start3A_563 = tpu.memref_slice %arg7[%rem3A_526, %run_scoped3A, %dma_start3A_561, %dma_start3A_562] : memref<2x4x32x128xf32, #tpu.memory_space<vmem>> -> memref<1x1x32x128xf32, #tpu.memory_space<vmem>>
        %dma_start3A_564 = tpu.memref_squeeze %dma_start3A_563 : memref<1x1x32x128xf32, #tpu.memory_space<vmem>> -> memref<32x128xf32, #tpu.memory_space<vmem>>
        %dma_start3A_565 = arith.constant 0 : i32
        %dma_start3A_566 = tpu.memref_slice %arg4[%run_scoped3A_538, %add3A_537, %dma_start3A_565] : memref<4x4096x128xf32, #tpu.memory_space<hbm>> -> memref<1x32x128xf32, #tpu.memory_space<hbm>>
        %dma_start3A_567 = tpu.memref_squeeze %dma_start3A_566 : memref<1x32x128xf32, #tpu.memory_space<hbm>> -> memref<32x128xf32, #tpu.memory_space<hbm>>
        %dma_start3A_568 = arith.constant 0 : i32
        %dma_start3A_569 = tpu.memref_slice %arg4[%run_scoped3A_538, %add3A_537, %dma_start3A_568] : memref<4x4096x128xf32, #tpu.memory_space<hbm>> -> memref<1x32x128xf32, #tpu.memory_space<hbm>>
        %dma_start3A_570 = tpu.memref_squeeze %dma_start3A_569 : memref<1x32x128xf32, #tpu.memory_space<hbm>> -> memref<32x128xf32, #tpu.memory_space<hbm>>
        %dma_start3A_571 = arith.constant 0 : i32
        %dma_start3A_572 = arith.constant 0 : i32
        %dma_start3A_573 = tpu.memref_slice %arg7[%rem3A_526, %run_scoped3A, %dma_start3A_571, %dma_start3A_572] : memref<2x4x32x128xf32, #tpu.memory_space<vmem>> -> memref<1x1x32x128xf32, #tpu.memory_space<vmem>>
        %dma_start3A_574 = tpu.memref_squeeze %dma_start3A_573 : memref<1x1x32x128xf32, #tpu.memory_space<vmem>> -> memref<32x128xf32, #tpu.memory_space<vmem>>
        tpu.enqueue_dma source(%dma_start3A_574 : memref<32x128xf32, #tpu.memory_space<vmem>>) target(%dma_start3A_570 : memref<32x128xf32, #tpu.memory_space<hbm>>) target_semaphore(%run_scoped3A_560 : memref<!tpu.dma_semaphore, #tpu.memory_space<semaphore_mem>>)
        %dma_wait3A_575 = arith.constant 0 : i32
        %dma_wait3A_576 = arith.constant 0 : i32
        %dma_wait3A_577 = tpu.memref_slice %arg7[%rem3A_526, %run_scoped3A, %dma_wait3A_575, %dma_wait3A_576] : memref<2x4x32x128xf32, #tpu.memory_space<vmem>> -> memref<1x1x32x128xf32, #tpu.memory_space<vmem>>
        %dma_wait3A_578 = tpu.memref_squeeze %dma_wait3A_577 : memref<1x1x32x128xf32, #tpu.memory_space<vmem>> -> memref<32x128xf32, #tpu.memory_space<vmem>>
        %dma_wait3A_579 = arith.constant 0 : i32
        %dma_wait3A_580 = tpu.memref_slice %arg4[%run_scoped3A_538, %add3A_537, %dma_wait3A_579] : memref<4x4096x128xf32, #tpu.memory_space<hbm>> -> memref<1x32x128xf32, #tpu.memory_space<hbm>>
        %dma_wait3A_581 = tpu.memref_squeeze %dma_wait3A_580 : memref<1x32x128xf32, #tpu.memory_space<hbm>> -> memref<32x128xf32, #tpu.memory_space<hbm>>
        %dma_wait3A_582 = arith.constant 0 : i32
        %dma_wait3A_583 = tpu.memref_slice %arg4[%run_scoped3A_538, %add3A_537, %dma_wait3A_582] : memref<4x4096x128xf32, #tpu.memory_space<hbm>> -> memref<1x32x128xf32, #tpu.memory_space<hbm>>
        %dma_wait3A_584 = tpu.memref_squeeze %dma_wait3A_583 : memref<1x32x128xf32, #tpu.memory_space<hbm>> -> memref<32x128xf32, #tpu.memory_space<hbm>>
        %dma_wait3A_585 = arith.constant 0 : i32
        %dma_wait3A_586 = arith.constant 0 : i32
        %dma_wait3A_587 = tpu.memref_slice %arg7[%rem3A_526, %run_scoped3A, %dma_wait3A_585, %dma_wait3A_586] : memref<2x4x32x128xf32, #tpu.memory_space<vmem>> -> memref<1x1x32x128xf32, #tpu.memory_space<vmem>>
        %dma_wait3A_588 = tpu.memref_squeeze %dma_wait3A_587 : memref<1x1x32x128xf32, #tpu.memory_space<vmem>> -> memref<32x128xf32, #tpu.memory_space<vmem>>
        tpu.wait_dma2 semaphore(%run_scoped3A_560 : memref<!tpu.dma_semaphore, #tpu.memory_space<semaphore_mem>>) src(%dma_wait3A_588 : memref<32x128xf32, #tpu.memory_space<vmem>>) dst(%dma_wait3A_584 : memref<32x128xf32, #tpu.memory_space<hbm>>)
        tpu.yield
      }) : () -> ()
      %mul3A_539 = arith.constant 128 : i32
      %mul3A_540 = arith.muli %add3A, %mul3A_539 : i32
      %mul3A_541 = arith.constant 32 : i32
      %mul3A_542 = arith.muli %scan3A_525, %mul3A_541 : i32
      %add3A_543 = arith.addi %mul3A_540, %mul3A_542 : i32
      %run_scoped3A_544 = arith.constant 1 : i32
      %run_scoped3A_545 = arith.constant 1 : i32
      "tpu.region"() ({
        %run_scoped3A_560 = tpu.sem_alloc : memref<!tpu.dma_semaphore, #tpu.memory_space<semaphore_mem>>
        %dma_start3A_561 = arith.constant 0 : i32
        %dma_start3A_562 = arith.constant 0 : i32
        %dma_start3A_563 = tpu.memref_slice %arg7[%rem3A_526, %run_scoped3A_544, %dma_start3A_561, %dma_start3A_562] : memref<2x4x32x128xf32, #tpu.memory_space<vmem>> -> memref<1x1x32x128xf32, #tpu.memory_space<vmem>>
        %dma_start3A_564 = tpu.memref_squeeze %dma_start3A_563 : memref<1x1x32x128xf32, #tpu.memory_space<vmem>> -> memref<32x128xf32, #tpu.memory_space<vmem>>
        %dma_start3A_565 = arith.constant 0 : i32
        %dma_start3A_566 = tpu.memref_slice %arg4[%run_scoped3A_545, %add3A_543, %dma_start3A_565] : memref<4x4096x128xf32, #tpu.memory_space<hbm>> -> memref<1x32x128xf32, #tpu.memory_space<hbm>>
        %dma_start3A_567 = tpu.memref_squeeze %dma_start3A_566 : memref<1x32x128xf32, #tpu.memory_space<hbm>> -> memref<32x128xf32, #tpu.memory_space<hbm>>
        %dma_start3A_568 = arith.constant 0 : i32
        %dma_start3A_569 = tpu.memref_slice %arg4[%run_scoped3A_545, %add3A_543, %dma_start3A_568] : memref<4x4096x128xf32, #tpu.memory_space<hbm>> -> memref<1x32x128xf32, #tpu.memory_space<hbm>>
        %dma_start3A_570 = tpu.memref_squeeze %dma_start3A_569 : memref<1x32x128xf32, #tpu.memory_space<hbm>> -> memref<32x128xf32, #tpu.memory_space<hbm>>
        %dma_start3A_571 = arith.constant 0 : i32
        %dma_start3A_572 = arith.constant 0 : i32
        %dma_start3A_573 = tpu.memref_slice %arg7[%rem3A_526, %run_scoped3A_544, %dma_start3A_571, %dma_start3A_572] : memref<2x4x32x128xf32, #tpu.memory_space<vmem>> -> memref<1x1x32x128xf32, #tpu.memory_space<vmem>>
        %dma_start3A_574 = tpu.memref_squeeze %dma_start3A_573 : memref<1x1x32x128xf32, #tpu.memory_space<vmem>> -> memref<32x128xf32, #tpu.memory_space<vmem>>
        tpu.enqueue_dma source(%dma_start3A_574 : memref<32x128xf32, #tpu.memory_space<vmem>>) target(%dma_start3A_570 : memref<32x128xf32, #tpu.memory_space<hbm>>) target_semaphore(%run_scoped3A_560 : memref<!tpu.dma_semaphore, #tpu.memory_space<semaphore_mem>>)
        %dma_wait3A_575 = arith.constant 0 : i32
        %dma_wait3A_576 = arith.constant 0 : i32
        %dma_wait3A_577 = tpu.memref_slice %arg7[%rem3A_526, %run_scoped3A_544, %dma_wait3A_575, %dma_wait3A_576] : memref<2x4x32x128xf32, #tpu.memory_space<vmem>> -> memref<1x1x32x128xf32, #tpu.memory_space<vmem>>
        %dma_wait3A_578 = tpu.memref_squeeze %dma_wait3A_577 : memref<1x1x32x128xf32, #tpu.memory_space<vmem>> -> memref<32x128xf32, #tpu.memory_space<vmem>>
        %dma_wait3A_579 = arith.constant 0 : i32
        %dma_wait3A_580 = tpu.memref_slice %arg4[%run_scoped3A_545, %add3A_543, %dma_wait3A_579] : memref<4x4096x128xf32, #tpu.memory_space<hbm>> -> memref<1x32x128xf32, #tpu.memory_space<hbm>>
        %dma_wait3A_581 = tpu.memref_squeeze %dma_wait3A_580 : memref<1x32x128xf32, #tpu.memory_space<hbm>> -> memref<32x128xf32, #tpu.memory_space<hbm>>
        %dma_wait3A_582 = arith.constant 0 : i32
        %dma_wait3A_583 = tpu.memref_slice %arg4[%run_scoped3A_545, %add3A_543, %dma_wait3A_582] : memref<4x4096x128xf32, #tpu.memory_space<hbm>> -> memref<1x32x128xf32, #tpu.memory_space<hbm>>
        %dma_wait3A_584 = tpu.memref_squeeze %dma_wait3A_583 : memref<1x32x128xf32, #tpu.memory_space<hbm>> -> memref<32x128xf32, #tpu.memory_space<hbm>>
        %dma_wait3A_585 = arith.constant 0 : i32
        %dma_wait3A_586 = arith.constant 0 : i32
        %dma_wait3A_587 = tpu.memref_slice %arg7[%rem3A_526, %run_scoped3A_544, %dma_wait3A_585, %dma_wait3A_586] : memref<2x4x32x128xf32, #tpu.memory_space<vmem>> -> memref<1x1x32x128xf32, #tpu.memory_space<vmem>>
        %dma_wait3A_588 = tpu.memref_squeeze %dma_wait3A_587 : memref<1x1x32x128xf32, #tpu.memory_space<vmem>> -> memref<32x128xf32, #tpu.memory_space<vmem>>
        tpu.wait_dma2 semaphore(%run_scoped3A_560 : memref<!tpu.dma_semaphore, #tpu.memory_space<semaphore_mem>>) src(%dma_wait3A_588 : memref<32x128xf32, #tpu.memory_space<vmem>>) dst(%dma_wait3A_584 : memref<32x128xf32, #tpu.memory_space<hbm>>)
        tpu.yield
      }) : () -> ()
      %mul3A_546 = arith.constant 128 : i32
      %mul3A_547 = arith.muli %add3A, %mul3A_546 : i32
      %mul3A_548 = arith.constant 32 : i32
      %mul3A_549 = arith.muli %scan3A_525, %mul3A_548 : i32
      %add3A_550 = arith.addi %mul3A_547, %mul3A_549 : i32
      %run_scoped3A_551 = arith.constant 2 : i32
      %run_scoped3A_552 = arith.constant 2 : i32
      "tpu.region"() ({
        %run_scoped3A_560 = tpu.sem_alloc : memref<!tpu.dma_semaphore, #tpu.memory_space<semaphore_mem>>
        %dma_start3A_561 = arith.constant 0 : i32
        %dma_start3A_562 = arith.constant 0 : i32
        %dma_start3A_563 = tpu.memref_slice %arg7[%rem3A_526, %run_scoped3A_551, %dma_start3A_561, %dma_start3A_562] : memref<2x4x32x128xf32, #tpu.memory_space<vmem>> -> memref<1x1x32x128xf32, #tpu.memory_space<vmem>>
        %dma_start3A_564 = tpu.memref_squeeze %dma_start3A_563 : memref<1x1x32x128xf32, #tpu.memory_space<vmem>> -> memref<32x128xf32, #tpu.memory_space<vmem>>
        %dma_start3A_565 = arith.constant 0 : i32
        %dma_start3A_566 = tpu.memref_slice %arg4[%run_scoped3A_552, %add3A_550, %dma_start3A_565] : memref<4x4096x128xf32, #tpu.memory_space<hbm>> -> memref<1x32x128xf32, #tpu.memory_space<hbm>>
        %dma_start3A_567 = tpu.memref_squeeze %dma_start3A_566 : memref<1x32x128xf32, #tpu.memory_space<hbm>> -> memref<32x128xf32, #tpu.memory_space<hbm>>
        %dma_start3A_568 = arith.constant 0 : i32
        %dma_start3A_569 = tpu.memref_slice %arg4[%run_scoped3A_552, %add3A_550, %dma_start3A_568] : memref<4x4096x128xf32, #tpu.memory_space<hbm>> -> memref<1x32x128xf32, #tpu.memory_space<hbm>>
        %dma_start3A_570 = tpu.memref_squeeze %dma_start3A_569 : memref<1x32x128xf32, #tpu.memory_space<hbm>> -> memref<32x128xf32, #tpu.memory_space<hbm>>
        %dma_start3A_571 = arith.constant 0 : i32
        %dma_start3A_572 = arith.constant 0 : i32
        %dma_start3A_573 = tpu.memref_slice %arg7[%rem3A_526, %run_scoped3A_551, %dma_start3A_571, %dma_start3A_572] : memref<2x4x32x128xf32, #tpu.memory_space<vmem>> -> memref<1x1x32x128xf32, #tpu.memory_space<vmem>>
        %dma_start3A_574 = tpu.memref_squeeze %dma_start3A_573 : memref<1x1x32x128xf32, #tpu.memory_space<vmem>> -> memref<32x128xf32, #tpu.memory_space<vmem>>
        tpu.enqueue_dma source(%dma_start3A_574 : memref<32x128xf32, #tpu.memory_space<vmem>>) target(%dma_start3A_570 : memref<32x128xf32, #tpu.memory_space<hbm>>) target_semaphore(%run_scoped3A_560 : memref<!tpu.dma_semaphore, #tpu.memory_space<semaphore_mem>>)
        %dma_wait3A_575 = arith.constant 0 : i32
        %dma_wait3A_576 = arith.constant 0 : i32
        %dma_wait3A_577 = tpu.memref_slice %arg7[%rem3A_526, %run_scoped3A_551, %dma_wait3A_575, %dma_wait3A_576] : memref<2x4x32x128xf32, #tpu.memory_space<vmem>> -> memref<1x1x32x128xf32, #tpu.memory_space<vmem>>
        %dma_wait3A_578 = tpu.memref_squeeze %dma_wait3A_577 : memref<1x1x32x128xf32, #tpu.memory_space<vmem>> -> memref<32x128xf32, #tpu.memory_space<vmem>>
        %dma_wait3A_579 = arith.constant 0 : i32
        %dma_wait3A_580 = tpu.memref_slice %arg4[%run_scoped3A_552, %add3A_550, %dma_wait3A_579] : memref<4x4096x128xf32, #tpu.memory_space<hbm>> -> memref<1x32x128xf32, #tpu.memory_space<hbm>>
        %dma_wait3A_581 = tpu.memref_squeeze %dma_wait3A_580 : memref<1x32x128xf32, #tpu.memory_space<hbm>> -> memref<32x128xf32, #tpu.memory_space<hbm>>
        %dma_wait3A_582 = arith.constant 0 : i32
        %dma_wait3A_583 = tpu.memref_slice %arg4[%run_scoped3A_552, %add3A_550, %dma_wait3A_582] : memref<4x4096x128xf32, #tpu.memory_space<hbm>> -> memref<1x32x128xf32, #tpu.memory_space<hbm>>
        %dma_wait3A_584 = tpu.memref_squeeze %dma_wait3A_583 : memref<1x32x128xf32, #tpu.memory_space<hbm>> -> memref<32x128xf32, #tpu.memory_space<hbm>>
        %dma_wait3A_585 = arith.constant 0 : i32
        %dma_wait3A_586 = arith.constant 0 : i32
        %dma_wait3A_587 = tpu.memref_slice %arg7[%rem3A_526, %run_scoped3A_551, %dma_wait3A_585, %dma_wait3A_586] : memref<2x4x32x128xf32, #tpu.memory_space<vmem>> -> memref<1x1x32x128xf32, #tpu.memory_space<vmem>>
        %dma_wait3A_588 = tpu.memref_squeeze %dma_wait3A_587 : memref<1x1x32x128xf32, #tpu.memory_space<vmem>> -> memref<32x128xf32, #tpu.memory_space<vmem>>
        tpu.wait_dma2 semaphore(%run_scoped3A_560 : memref<!tpu.dma_semaphore, #tpu.memory_space<semaphore_mem>>) src(%dma_wait3A_588 : memref<32x128xf32, #tpu.memory_space<vmem>>) dst(%dma_wait3A_584 : memref<32x128xf32, #tpu.memory_space<hbm>>)
        tpu.yield
      }) : () -> ()
      %mul3A_553 = arith.constant 128 : i32
      %mul3A_554 = arith.muli %add3A, %mul3A_553 : i32
      %mul3A_555 = arith.constant 32 : i32
      %mul3A_556 = arith.muli %scan3A_525, %mul3A_555 : i32
      %add3A_557 = arith.addi %mul3A_554, %mul3A_556 : i32
      %run_scoped3A_558 = arith.constant 3 : i32
      %run_scoped3A_559 = arith.constant 3 : i32
      "tpu.region"() ({
        %run_scoped3A_560 = tpu.sem_alloc : memref<!tpu.dma_semaphore, #tpu.memory_space<semaphore_mem>>
        %dma_start3A_561 = arith.constant 0 : i32
        %dma_start3A_562 = arith.constant 0 : i32
        %dma_start3A_563 = tpu.memref_slice %arg7[%rem3A_526, %run_scoped3A_558, %dma_start3A_561, %dma_start3A_562] : memref<2x4x32x128xf32, #tpu.memory_space<vmem>> -> memref<1x1x32x128xf32, #tpu.memory_space<vmem>>
        %dma_start3A_564 = tpu.memref_squeeze %dma_start3A_563 : memref<1x1x32x128xf32, #tpu.memory_space<vmem>> -> memref<32x128xf32, #tpu.memory_space<vmem>>
        %dma_start3A_565 = arith.constant 0 : i32
        %dma_start3A_566 = tpu.memref_slice %arg4[%run_scoped3A_559, %add3A_557, %dma_start3A_565] : memref<4x4096x128xf32, #tpu.memory_space<hbm>> -> memref<1x32x128xf32, #tpu.memory_space<hbm>>
        %dma_start3A_567 = tpu.memref_squeeze %dma_start3A_566 : memref<1x32x128xf32, #tpu.memory_space<hbm>> -> memref<32x128xf32, #tpu.memory_space<hbm>>
        %dma_start3A_568 = arith.constant 0 : i32
        %dma_start3A_569 = tpu.memref_slice %arg4[%run_scoped3A_559, %add3A_557, %dma_start3A_568] : memref<4x4096x128xf32, #tpu.memory_space<hbm>> -> memref<1x32x128xf32, #tpu.memory_space<hbm>>
        %dma_start3A_570 = tpu.memref_squeeze %dma_start3A_569 : memref<1x32x128xf32, #tpu.memory_space<hbm>> -> memref<32x128xf32, #tpu.memory_space<hbm>>
        %dma_start3A_571 = arith.constant 0 : i32
        %dma_start3A_572 = arith.constant 0 : i32
        %dma_start3A_573 = tpu.memref_slice %arg7[%rem3A_526, %run_scoped3A_558, %dma_start3A_571, %dma_start3A_572] : memref<2x4x32x128xf32, #tpu.memory_space<vmem>> -> memref<1x1x32x128xf32, #tpu.memory_space<vmem>>
        %dma_start3A_574 = tpu.memref_squeeze %dma_start3A_573 : memref<1x1x32x128xf32, #tpu.memory_space<vmem>> -> memref<32x128xf32, #tpu.memory_space<vmem>>
        tpu.enqueue_dma source(%dma_start3A_574 : memref<32x128xf32, #tpu.memory_space<vmem>>) target(%dma_start3A_570 : memref<32x128xf32, #tpu.memory_space<hbm>>) target_semaphore(%run_scoped3A_560 : memref<!tpu.dma_semaphore, #tpu.memory_space<semaphore_mem>>)
        %dma_wait3A_575 = arith.constant 0 : i32
        %dma_wait3A_576 = arith.constant 0 : i32
        %dma_wait3A_577 = tpu.memref_slice %arg7[%rem3A_526, %run_scoped3A_558, %dma_wait3A_575, %dma_wait3A_576] : memref<2x4x32x128xf32, #tpu.memory_space<vmem>> -> memref<1x1x32x128xf32, #tpu.memory_space<vmem>>
        %dma_wait3A_578 = tpu.memref_squeeze %dma_wait3A_577 : memref<1x1x32x128xf32, #tpu.memory_space<vmem>> -> memref<32x128xf32, #tpu.memory_space<vmem>>
        %dma_wait3A_579 = arith.constant 0 : i32
        %dma_wait3A_580 = tpu.memref_slice %arg4[%run_scoped3A_559, %add3A_557, %dma_wait3A_579] : memref<4x4096x128xf32, #tpu.memory_space<hbm>> -> memref<1x32x128xf32, #tpu.memory_space<hbm>>
        %dma_wait3A_581 = tpu.memref_squeeze %dma_wait3A_580 : memref<1x32x128xf32, #tpu.memory_space<hbm>> -> memref<32x128xf32, #tpu.memory_space<hbm>>
        %dma_wait3A_582 = arith.constant 0 : i32
        %dma_wait3A_583 = tpu.memref_slice %arg4[%run_scoped3A_559, %add3A_557, %dma_wait3A_582] : memref<4x4096x128xf32, #tpu.memory_space<hbm>> -> memref<1x32x128xf32, #tpu.memory_space<hbm>>
        %dma_wait3A_584 = tpu.memref_squeeze %dma_wait3A_583 : memref<1x32x128xf32, #tpu.memory_space<hbm>> -> memref<32x128xf32, #tpu.memory_space<hbm>>
        %dma_wait3A_585 = arith.constant 0 : i32
        %dma_wait3A_586 = arith.constant 0 : i32
        %dma_wait3A_587 = tpu.memref_slice %arg7[%rem3A_526, %run_scoped3A_558, %dma_wait3A_585, %dma_wait3A_586] : memref<2x4x32x128xf32, #tpu.memory_space<vmem>> -> memref<1x1x32x128xf32, #tpu.memory_space<vmem>>
        %dma_wait3A_588 = tpu.memref_squeeze %dma_wait3A_587 : memref<1x1x32x128xf32, #tpu.memory_space<vmem>> -> memref<32x128xf32, #tpu.memory_space<vmem>>
        tpu.wait_dma2 semaphore(%run_scoped3A_560 : memref<!tpu.dma_semaphore, #tpu.memory_space<semaphore_mem>>) src(%dma_wait3A_588 : memref<32x128xf32, #tpu.memory_space<vmem>>) dst(%dma_wait3A_584 : memref<32x128xf32, #tpu.memory_space<hbm>>)
        tpu.yield
      }) : () -> ()
    }
    %scan3A_524 = arith.constant 4 : i32
    return
  }
}

module attributes {stable_mosaic.version = 14 : i64} {
  func.func @body(%arg0: memref<4x4096x128xf32, #tpu.memory_space<vmem>>, %arg1: memref<4096x13xf32, #tpu.memory_space<vmem>>, %arg2: memref<4096x1xf32, #tpu.memory_space<vmem>>, %arg3: memref<4x128x21xf32, #tpu.memory_space<vmem>>, %arg4: memref<16x5xf32, #tpu.memory_space<vmem>>, %arg5: memref<13x16xf32, #tpu.memory_space<vmem>>, %arg6: memref<1x16xf32, #tpu.memory_space<vmem>>, %arg7: memref<1x5xf32, #tpu.memory_space<vmem>>, %arg8: memref<5x20xf32, #tpu.memory_space<vmem>>, %arg9: memref<1x20xf32, #tpu.memory_space<vmem>>, %arg10: memref<1x20xf32, #tpu.memory_space<vmem>>, %arg11: memref<20x1xf32, #tpu.memory_space<vmem>>, %arg12: memref<1x1xf32, #tpu.memory_space<vmem>>, %arg13: memref<1x1xf32, #tpu.memory_space<vmem>>, %arg14: memref<4096x1xf32, #tpu.memory_space<vmem>>) attributes {dimension_semantics = [], scalar_prefetch = 0 : i64, scratch_operands = 0 : i64, tpu.core_type = #tpu.core_type<tc>} {
    %get3A = arith.constant 0 : index
    %get3A_0 = arith.constant 0 : index
    %get3A_1 = arith.constant 0 : index
    %get3A_2 = vector.load %arg0[%get3A, %get3A_0, %get3A_1] : memref<4x4096x128xf32, #tpu.memory_space<vmem>>, vector<1x4096x128xf32>
    %get3A_3 = vector.shape_cast %get3A_2 : vector<1x4096x128xf32> to vector<4096x128xf32>
    %get3A_4 = arith.constant 0 : index
    %get3A_5 = arith.constant 0 : index
    %get3A_6 = arith.constant 0 : index
    %get3A_7 = vector.load %arg3[%get3A_4, %get3A_5, %get3A_6] : memref<4x128x21xf32, #tpu.memory_space<vmem>>, vector<1x128x21xf32>
    %get3A_8 = vector.shape_cast %get3A_7 : vector<1x128x21xf32> to vector<128x21xf32>
    %dot_general3A = arith.constant dense<0.000000e+00> : vector<4096x21xf32>
    %dot_general3A_9 = tpu.matmul %get3A_3, %get3A_8, %dot_general3A {dimension_numbers = #tpu.dot_dimension_numbers<[1], [0], [0], [1], [0, 0, 1, 1], [], []>, transpose_lhs_hint = false} : vector<4096x128xf32>, vector<128x21xf32>, vector<4096x21xf32> -> vector<4096x21xf32>
    %mul3A = arith.mulf %get3A_3, %get3A_3 : vector<4096x128xf32>
    %get3A_10 = arith.constant 0 : index
    %get3A_11 = arith.constant 0 : index
    %get3A_12 = arith.constant 0 : index
    %get3A_13 = vector.load %arg3[%get3A_10, %get3A_11, %get3A_12] : memref<4x128x21xf32, #tpu.memory_space<vmem>>, vector<1x128x16xf32>
    %get3A_14 = vector.shape_cast %get3A_13 : vector<1x128x16xf32> to vector<128x16xf32>
    %dot_general3A_15 = arith.constant dense<0.000000e+00> : vector<4096x16xf32>
    %dot_general3A_16 = tpu.matmul %mul3A, %get3A_14, %dot_general3A_15 {dimension_numbers = #tpu.dot_dimension_numbers<[1], [0], [0], [1], [0, 0, 1, 1], [], []>, transpose_lhs_hint = false} : vector<4096x128xf32>, vector<128x16xf32>, vector<4096x16xf32> -> vector<4096x16xf32>
    %get3A_17 = arith.constant 1 : index
    %get3A_18 = arith.constant 0 : index
    %get3A_19 = arith.constant 0 : index
    %get3A_20 = vector.load %arg0[%get3A_17, %get3A_18, %get3A_19] : memref<4x4096x128xf32, #tpu.memory_space<vmem>>, vector<1x4096x128xf32>
    %get3A_21 = vector.shape_cast %get3A_20 : vector<1x4096x128xf32> to vector<4096x128xf32>
    %get3A_22 = arith.constant 1 : index
    %get3A_23 = arith.constant 0 : index
    %get3A_24 = arith.constant 0 : index
    %get3A_25 = vector.load %arg3[%get3A_22, %get3A_23, %get3A_24] : memref<4x128x21xf32, #tpu.memory_space<vmem>>, vector<1x128x21xf32>
    %get3A_26 = vector.shape_cast %get3A_25 : vector<1x128x21xf32> to vector<128x21xf32>
    %dot_general3A_27 = arith.constant dense<0.000000e+00> : vector<4096x21xf32>
    %dot_general3A_28 = tpu.matmul %get3A_21, %get3A_26, %dot_general3A_27 {dimension_numbers = #tpu.dot_dimension_numbers<[1], [0], [0], [1], [0, 0, 1, 1], [], []>, transpose_lhs_hint = false} : vector<4096x128xf32>, vector<128x21xf32>, vector<4096x21xf32> -> vector<4096x21xf32>
    %mul3A_29 = arith.mulf %get3A_21, %get3A_21 : vector<4096x128xf32>
    %get3A_30 = arith.constant 1 : index
    %get3A_31 = arith.constant 0 : index
    %get3A_32 = arith.constant 0 : index
    %get3A_33 = vector.load %arg3[%get3A_30, %get3A_31, %get3A_32] : memref<4x128x21xf32, #tpu.memory_space<vmem>>, vector<1x128x16xf32>
    %get3A_34 = vector.shape_cast %get3A_33 : vector<1x128x16xf32> to vector<128x16xf32>
    %dot_general3A_35 = arith.constant dense<0.000000e+00> : vector<4096x16xf32>
    %dot_general3A_36 = tpu.matmul %mul3A_29, %get3A_34, %dot_general3A_35 {dimension_numbers = #tpu.dot_dimension_numbers<[1], [0], [0], [1], [0, 0, 1, 1], [], []>, transpose_lhs_hint = false} : vector<4096x128xf32>, vector<128x16xf32>, vector<4096x16xf32> -> vector<4096x16xf32>
    %add3A = arith.addf %dot_general3A_9, %dot_general3A_28 : vector<4096x21xf32>
    %add3A_37 = arith.addf %dot_general3A_16, %dot_general3A_36 : vector<4096x16xf32>
    %get3A_38 = arith.constant 2 : index
    %get3A_39 = arith.constant 0 : index
    %get3A_40 = arith.constant 0 : index
    %get3A_41 = vector.load %arg0[%get3A_38, %get3A_39, %get3A_40] : memref<4x4096x128xf32, #tpu.memory_space<vmem>>, vector<1x4096x128xf32>
    %get3A_42 = vector.shape_cast %get3A_41 : vector<1x4096x128xf32> to vector<4096x128xf32>
    %get3A_43 = arith.constant 2 : index
    %get3A_44 = arith.constant 0 : index
    %get3A_45 = arith.constant 0 : index
    %get3A_46 = vector.load %arg3[%get3A_43, %get3A_44, %get3A_45] : memref<4x128x21xf32, #tpu.memory_space<vmem>>, vector<1x128x21xf32>
    %get3A_47 = vector.shape_cast %get3A_46 : vector<1x128x21xf32> to vector<128x21xf32>
    %dot_general3A_48 = arith.constant dense<0.000000e+00> : vector<4096x21xf32>
    %dot_general3A_49 = tpu.matmul %get3A_42, %get3A_47, %dot_general3A_48 {dimension_numbers = #tpu.dot_dimension_numbers<[1], [0], [0], [1], [0, 0, 1, 1], [], []>, transpose_lhs_hint = false} : vector<4096x128xf32>, vector<128x21xf32>, vector<4096x21xf32> -> vector<4096x21xf32>
    %mul3A_50 = arith.mulf %get3A_42, %get3A_42 : vector<4096x128xf32>
    %get3A_51 = arith.constant 2 : index
    %get3A_52 = arith.constant 0 : index
    %get3A_53 = arith.constant 0 : index
    %get3A_54 = vector.load %arg3[%get3A_51, %get3A_52, %get3A_53] : memref<4x128x21xf32, #tpu.memory_space<vmem>>, vector<1x128x16xf32>
    %get3A_55 = vector.shape_cast %get3A_54 : vector<1x128x16xf32> to vector<128x16xf32>
    %dot_general3A_56 = arith.constant dense<0.000000e+00> : vector<4096x16xf32>
    %dot_general3A_57 = tpu.matmul %mul3A_50, %get3A_55, %dot_general3A_56 {dimension_numbers = #tpu.dot_dimension_numbers<[1], [0], [0], [1], [0, 0, 1, 1], [], []>, transpose_lhs_hint = false} : vector<4096x128xf32>, vector<128x16xf32>, vector<4096x16xf32> -> vector<4096x16xf32>
    %add3A_58 = arith.addf %add3A, %dot_general3A_49 : vector<4096x21xf32>
    %add3A_59 = arith.addf %add3A_37, %dot_general3A_57 : vector<4096x16xf32>
    %get3A_60 = arith.constant 3 : index
    %get3A_61 = arith.constant 0 : index
    %get3A_62 = arith.constant 0 : index
    %get3A_63 = vector.load %arg0[%get3A_60, %get3A_61, %get3A_62] : memref<4x4096x128xf32, #tpu.memory_space<vmem>>, vector<1x4096x128xf32>
    %get3A_64 = vector.shape_cast %get3A_63 : vector<1x4096x128xf32> to vector<4096x128xf32>
    %get3A_65 = arith.constant 3 : index
    %get3A_66 = arith.constant 0 : index
    %get3A_67 = arith.constant 0 : index
    %get3A_68 = vector.load %arg3[%get3A_65, %get3A_66, %get3A_67] : memref<4x128x21xf32, #tpu.memory_space<vmem>>, vector<1x128x21xf32>
    %get3A_69 = vector.shape_cast %get3A_68 : vector<1x128x21xf32> to vector<128x21xf32>
    %dot_general3A_70 = arith.constant dense<0.000000e+00> : vector<4096x21xf32>
    %dot_general3A_71 = tpu.matmul %get3A_64, %get3A_69, %dot_general3A_70 {dimension_numbers = #tpu.dot_dimension_numbers<[1], [0], [0], [1], [0, 0, 1, 1], [], []>, transpose_lhs_hint = false} : vector<4096x128xf32>, vector<128x21xf32>, vector<4096x21xf32> -> vector<4096x21xf32>
    %mul3A_72 = arith.mulf %get3A_64, %get3A_64 : vector<4096x128xf32>
    %get3A_73 = arith.constant 3 : index
    %get3A_74 = arith.constant 0 : index
    %get3A_75 = arith.constant 0 : index
    %get3A_76 = vector.load %arg3[%get3A_73, %get3A_74, %get3A_75] : memref<4x128x21xf32, #tpu.memory_space<vmem>>, vector<1x128x16xf32>
    %get3A_77 = vector.shape_cast %get3A_76 : vector<1x128x16xf32> to vector<128x16xf32>
    %dot_general3A_78 = arith.constant dense<0.000000e+00> : vector<4096x16xf32>
    %dot_general3A_79 = tpu.matmul %mul3A_72, %get3A_77, %dot_general3A_78 {dimension_numbers = #tpu.dot_dimension_numbers<[1], [0], [0], [1], [0, 0, 1, 1], [], []>, transpose_lhs_hint = false} : vector<4096x128xf32>, vector<128x16xf32>, vector<4096x16xf32> -> vector<4096x16xf32>
    %add3A_80 = arith.addf %add3A_58, %dot_general3A_71 : vector<4096x21xf32>
    %add3A_81 = arith.addf %add3A_59, %dot_general3A_79 : vector<4096x16xf32>
    %get3A_82 = arith.constant 0 : index
    %get3A_83 = arith.constant 0 : index
    %get3A_84 = vector.load %arg1[%get3A_82, %get3A_83] : memref<4096x13xf32, #tpu.memory_space<vmem>>, vector<4096x13xf32>
    %get3A_85 = arith.constant 0 : index
    %get3A_86 = arith.constant 0 : index
    %get3A_87 = vector.load %arg5[%get3A_85, %get3A_86] : memref<13x16xf32, #tpu.memory_space<vmem>>, vector<13x16xf32>
    %dot_general3A_88 = arith.constant dense<0.000000e+00> : vector<4096x16xf32>
    %dot_general3A_89 = tpu.matmul %get3A_84, %get3A_87, %dot_general3A_88 {dimension_numbers = #tpu.dot_dimension_numbers<[1], [0], [0], [1], [0, 0, 1, 1], [], []>, transpose_lhs_hint = false} : vector<4096x13xf32>, vector<13x16xf32>, vector<4096x16xf32> -> vector<4096x16xf32>
    %get3A_90 = arith.constant 0 : index
    %get3A_91 = arith.constant 0 : index
    %get3A_92 = vector.load %arg6[%get3A_90, %get3A_91] : memref<1x16xf32, #tpu.memory_space<vmem>>, vector<1x16xf32>
    %add3A_93 = vector.broadcast %get3A_92 : vector<1x16xf32> to vector<4096x16xf32>
    %add3A_94 = arith.addf %dot_general3A_89, %add3A_93 : vector<4096x16xf32>
    %max3A = arith.constant 0.000000e+00 : f32
    %max3A_95 = vector.broadcast %max3A : f32 to vector<4096x16xf32>
    %max3A_96 = arith.maximumf %add3A_94, %max3A_95 : vector<4096x16xf32>
    %slice3A = vector.extract_strided_slice %add3A_80 {offsets = [0, 0], sizes = [4096, 16], strides = [1, 1]} : vector<4096x21xf32> to vector<4096x16xf32>
    %add3A_97 = arith.addf %slice3A, %max3A_96 : vector<4096x16xf32>
    %slice3A_98 = vector.extract_strided_slice %add3A_80 {offsets = [0, 16], sizes = [4096, 5], strides = [1, 1]} : vector<4096x21xf32> to vector<4096x5xf32>
    %get3A_99 = arith.constant 0 : index
    %get3A_100 = arith.constant 0 : index
    %get3A_101 = vector.load %arg4[%get3A_99, %get3A_100] : memref<16x5xf32, #tpu.memory_space<vmem>>, vector<16x5xf32>
    %dot_general3A_102 = arith.constant dense<0.000000e+00> : vector<4096x5xf32>
    %dot_general3A_103 = tpu.matmul %max3A_96, %get3A_101, %dot_general3A_102 {dimension_numbers = #tpu.dot_dimension_numbers<[1], [0], [0], [1], [0, 0, 1, 1], [], []>, transpose_lhs_hint = false} : vector<4096x16xf32>, vector<16x5xf32>, vector<4096x5xf32> -> vector<4096x5xf32>
    %add3A_104 = arith.addf %slice3A_98, %dot_general3A_103 : vector<4096x5xf32>
    %get3A_105 = arith.constant 0 : index
    %get3A_106 = arith.constant 0 : index
    %get3A_107 = vector.load %arg7[%get3A_105, %get3A_106] : memref<1x5xf32, #tpu.memory_space<vmem>>, vector<1x5xf32>
    %add3A_108 = vector.broadcast %get3A_107 : vector<1x5xf32> to vector<4096x5xf32>
    %add3A_109 = arith.addf %add3A_104, %add3A_108 : vector<4096x5xf32>
    %max3A_110 = arith.constant 0.000000e+00 : f32
    %max3A_111 = vector.broadcast %max3A_110 : f32 to vector<4096x5xf32>
    %max3A_112 = arith.maximumf %add3A_109, %max3A_111 : vector<4096x5xf32>
    %mul3A_113 = arith.mulf %add3A_97, %add3A_97 : vector<4096x16xf32>
    %mul3A_114 = arith.mulf %max3A_96, %max3A_96 : vector<4096x16xf32>
    %add3A_115 = arith.addf %add3A_81, %mul3A_114 : vector<4096x16xf32>
    %sub3A = arith.subf %mul3A_113, %add3A_115 : vector<4096x16xf32>
    %broadcast_in_dim3A = arith.constant 1.000000e+00 : f32
    %broadcast_in_dim3A_116 = vector.broadcast %broadcast_in_dim3A : f32 to vector<16x1xf32>
    %dot_general3A_117 = arith.constant dense<0.000000e+00> : vector<4096x1xf32>
    %dot_general3A_118 = tpu.matmul %sub3A, %broadcast_in_dim3A_116, %dot_general3A_117 {dimension_numbers = #tpu.dot_dimension_numbers<[1], [0], [0], [1], [0, 0, 1, 1], [], []>, transpose_lhs_hint = false} : vector<4096x16xf32>, vector<16x1xf32>, vector<4096x1xf32> -> vector<4096x1xf32>
    %mul3A_119 = arith.constant 5.000000e-01 : f32
    %mul3A_120 = vector.broadcast %mul3A_119 : f32 to vector<4096x1xf32>
    %mul3A_121 = arith.mulf %mul3A_120, %dot_general3A_118 : vector<4096x1xf32>
    %get3A_122 = arith.constant 0 : index
    %get3A_123 = arith.constant 0 : index
    %get3A_124 = vector.load %arg8[%get3A_122, %get3A_123] : memref<5x20xf32, #tpu.memory_space<vmem>>, vector<5x20xf32>
    %dot_general3A_125 = arith.constant dense<0.000000e+00> : vector<4096x20xf32>
    %dot_general3A_126 = tpu.matmul %max3A_112, %get3A_124, %dot_general3A_125 {dimension_numbers = #tpu.dot_dimension_numbers<[1], [0], [0], [1], [0, 0, 1, 1], [], []>, transpose_lhs_hint = false} : vector<4096x5xf32>, vector<5x20xf32>, vector<4096x20xf32> -> vector<4096x20xf32>
    %get3A_127 = arith.constant 0 : index
    %get3A_128 = arith.constant 0 : index
    %get3A_129 = vector.load %arg9[%get3A_127, %get3A_128] : memref<1x20xf32, #tpu.memory_space<vmem>>, vector<1x20xf32>
    %mul3A_130 = vector.broadcast %mul3A_121 : vector<4096x1xf32> to vector<4096x20xf32>
    %mul3A_131 = vector.broadcast %get3A_129 : vector<1x20xf32> to vector<4096x20xf32>
    %mul3A_132 = arith.mulf %mul3A_130, %mul3A_131 : vector<4096x20xf32>
    %add3A_133 = arith.addf %dot_general3A_126, %mul3A_132 : vector<4096x20xf32>
    %get3A_134 = arith.constant 0 : index
    %get3A_135 = arith.constant 0 : index
    %get3A_136 = vector.load %arg10[%get3A_134, %get3A_135] : memref<1x20xf32, #tpu.memory_space<vmem>>, vector<1x20xf32>
    %add3A_137 = vector.broadcast %get3A_136 : vector<1x20xf32> to vector<4096x20xf32>
    %add3A_138 = arith.addf %add3A_133, %add3A_137 : vector<4096x20xf32>
    %max3A_139 = arith.constant 0.000000e+00 : f32
    %max3A_140 = vector.broadcast %max3A_139 : f32 to vector<4096x20xf32>
    %max3A_141 = arith.maximumf %add3A_138, %max3A_140 : vector<4096x20xf32>
    %get3A_142 = arith.constant 0 : index
    %get3A_143 = arith.constant 0 : index
    %get3A_144 = vector.load %arg11[%get3A_142, %get3A_143] : memref<20x1xf32, #tpu.memory_space<vmem>>, vector<20x1xf32>
    %dot_general3A_145 = arith.constant dense<0.000000e+00> : vector<4096x1xf32>
    %dot_general3A_146 = tpu.matmul %max3A_141, %get3A_144, %dot_general3A_145 {dimension_numbers = #tpu.dot_dimension_numbers<[1], [0], [0], [1], [0, 0, 1, 1], [], []>, transpose_lhs_hint = false} : vector<4096x20xf32>, vector<20x1xf32>, vector<4096x1xf32> -> vector<4096x1xf32>
    %get3A_147 = arith.constant 0 : index
    %get3A_148 = arith.constant 0 : index
    %get3A_149 = vector.load %arg12[%get3A_147, %get3A_148] : memref<1x1xf32, #tpu.memory_space<vmem>>, vector<1x1xf32>
    %add3A_150 = vector.broadcast %get3A_149 : vector<1x1xf32> to vector<4096x1xf32>
    %add3A_151 = arith.addf %dot_general3A_146, %add3A_150 : vector<4096x1xf32>
    %neg3A = arith.constant 0.000000e+00 : f32
    %neg3A_152 = vector.broadcast %neg3A : f32 to vector<4096x1xf32>
    %neg3A_153 = arith.subf %neg3A_152, %add3A_151 : vector<4096x1xf32>
    %exp3A = math.exp %neg3A_153 : vector<4096x1xf32>
    %add3A_154 = arith.constant 1.000000e+00 : f32
    %add3A_155 = vector.broadcast %add3A_154 : f32 to vector<4096x1xf32>
    %add3A_156 = arith.addf %add3A_155, %exp3A : vector<4096x1xf32>
    %div3A = arith.constant 1.000000e+00 : f32
    %div3A_157 = vector.broadcast %div3A : f32 to vector<4096x1xf32>
    %div3A_158 = arith.divf %div3A_157, %add3A_156 : vector<4096x1xf32>
    %jit3A = arith.constant 1.000000e-07 : f32
    %jit3A_159 = arith.constant 0.99999988 : f32
    %max3A_160 = vector.broadcast %jit3A : f32 to vector<4096x1xf32>
    %max3A_161 = arith.maximumf %max3A_160, %div3A_158 : vector<4096x1xf32>
    %min3A = vector.broadcast %jit3A_159 : f32 to vector<4096x1xf32>
    %min3A_162 = arith.minimumf %min3A, %max3A_161 : vector<4096x1xf32>
    %get3A_163 = arith.constant 0 : index
    %get3A_164 = arith.constant 0 : index
    %get3A_165 = vector.load %arg2[%get3A_163, %get3A_164] : memref<4096x1xf32, #tpu.memory_space<vmem>>, vector<4096x1xf32>
    %log3A = math.log %min3A_162 : vector<4096x1xf32>
    %mul3A_166 = arith.mulf %get3A_165, %log3A : vector<4096x1xf32>
    %sub3A_167 = arith.constant 1.000000e+00 : f32
    %sub3A_168 = vector.broadcast %sub3A_167 : f32 to vector<4096x1xf32>
    %sub3A_169 = arith.subf %sub3A_168, %get3A_165 : vector<4096x1xf32>
    %sub3A_170 = arith.constant 1.000000e+00 : f32
    %sub3A_171 = vector.broadcast %sub3A_170 : f32 to vector<4096x1xf32>
    %sub3A_172 = arith.subf %sub3A_171, %min3A_162 : vector<4096x1xf32>
    %log3A_173 = math.log %sub3A_172 : vector<4096x1xf32>
    %mul3A_174 = arith.mulf %sub3A_169, %log3A_173 : vector<4096x1xf32>
    %add3A_175 = arith.addf %mul3A_166, %mul3A_174 : vector<4096x1xf32>
    %reduce_sum3A = vector.shape_cast %add3A_175 : vector<4096x1xf32> to vector<1x4096x1xf32>
    %reduce_sum3A_176 = arith.constant dense<0.000000e+00> : vector<1xf32>
    %reduce_sum3A_177 = vector.multi_reduction <add>, %reduce_sum3A, %reduce_sum3A_176 [1, 2] : vector<1x4096x1xf32> to vector<1xf32>
    %reduce_sum3A_178 = vector.shape_cast %reduce_sum3A_177 : vector<1xf32> to vector<1x1x1xf32>
    %reduce_sum3A_179 = vector.extract %reduce_sum3A_178[0, 0, 0] : f32 from vector<1x1x1xf32>
    %neg3A_180 = arith.constant 0.000000e+00 : f32
    %neg3A_181 = arith.subf %neg3A_180, %reduce_sum3A_179 : f32
    %mul3A_182 = arith.constant 2.44140625E-4 : f32
    %mul3A_183 = arith.mulf %neg3A_181, %mul3A_182 : f32
    %broadcast_in_dim3A_184 = vector.broadcast %mul3A_183 : f32 to vector<1x1xf32>
    %swap3A = arith.constant 0 : index
    %swap3A_185 = arith.constant 0 : index
    %swap3A_186 = vector.load %arg13[%swap3A, %swap3A_185] : memref<1x1xf32, #tpu.memory_space<vmem>>, vector<1x1xf32>
    tpu.vector_store %arg13[%swap3A, %swap3A_185], %broadcast_in_dim3A_184 {strides = array<i32>} : memref<1x1xf32, #tpu.memory_space<vmem>>, vector<1x1xf32>,
    %swap3A_187 = arith.constant 0 : index
    %swap3A_188 = arith.constant 0 : index
    %swap3A_189 = vector.load %arg14[%swap3A_187, %swap3A_188] : memref<4096x1xf32, #tpu.memory_space<vmem>>, vector<4096x1xf32>
    tpu.vector_store %arg14[%swap3A_187, %swap3A_188], %min3A_162 {strides = array<i32>} : memref<4096x1xf32, #tpu.memory_space<vmem>>, vector<4096x1xf32>,
    return
  }
}

</mosaic_0001>

<sc_bundles>
// kernel: kernel.4.cloned.1.call-start
scs
__scs_entry_jumppad:
0x0: {  	(pc) =	sbr.rel $0x88, $3  }
0x1: {  	(tag) =	ssettag $0x0;
	lr =	simm.s32 $0x1  }
0x2: {  	[smem:$0x3F94] =	sst lr;
	_ =	strace $0xD0000000  }
0x3: {  	_ = 	snop  }
0x4: {  	_ = 	snop  }
0x5: {  	_ = 	snop  }
0x6: {  	_ = 	snop  }
0x7: {  	_ = 	snop  }
__scs_overlays_trampoline_lowered:
0x8: {  	[smem:$0x3FA3] =	sst s0  }
0x9: {  	[smem:$0x3FA4] =	sst s1  }
0xa: {  	[smem:$0x3FA5] =	sst s2  }
0xb: {  	[smem:$0x3FA6] =	sst s3  }
0xc: {  	[smem:$0x3FA7] =	sst s4  }
0xd: {  	[smem:$0x3FA8] =	sst s5  }
0xe: {  	[smem:$0x3FA9] =	sst s6  }
0xf: {  	[smem:$0x3FAA] =	sst s7  }
0x10: {  	[smem:$0x3FAB] =	sst s8  }
0x11: {  	[smem:$0x3FAC] =	sst s9;
	s0 =	simm.s32 @!p0 $0x0  }
0x12: {  	s1 =	sld [smem:$0x3F92];
	s0 =	simm.s32 @p0 $0x1  }
0x13: {  	[smem:$0x3FAD] =	sst s0;
	s0 =	simm.s32 @!p1 $0x0  }
0x14: {  	s2 =	sld [smem:$0x3F91];
	s0 =	simm.s32 @p1 $0x1  }
0x15: {  	[smem:$0x3FAE] =	sst s0;
	s0 =	simm.s32 @!p2 $0x0  }
0x16: {  	s3 =	sld [smem:$0x3FDB];
	s0 =	simm.s32 @p2 $0x1  }
0x17: {  	s4 =	simm.s32 $0x1BF5;
	[smem:$0x3FB0] =	sst s0  }
0x18: {  	s0 =	sld [smem:$0x3F93];
	_ =	swait.ge [sflag:s4], $0x0  }
0x19: {  	s7 =	sld [smem:$0x3F94]  }
0x1a: {  	s8 =	sadd.s32 $0xFFFFE003, lr  }
0x1b: {  	s9 =	sadd.s32 $0xFFFFFEF7, lr;
	s5 =	simm.s32 $0xFFFFFFFF;
	p2 =	slt.u32 s8, $0xFFFFF086  }
0x1c: {  	p1 =	slt.u32 s9, $0xF7A;
	s5 =	simm.s32 @!p2 $0x0  }
0x1d: {  	s5 =	simm.s32 @p1 $0x1;
	p0 =	seq.s32 s7, s2  }
0x1e: {  	s7 =	smul.u32 @!p0 $0xF7A, s2;
	p2 =	seq.s32 @!p0 s5, $0x0  }
0x1f: {  	s9 =	smul.u32 $0xF7A, s1;
	s8 =	simm.s32 @!p0 $0x1BF5;
	p2 =	por !p2, p0  }
0x20: {  	[sflag:s8] =	ssyncset.s32 @!p0 $0xFFFFF086;
	s6 =	sadd.s32 @!p0 s3, s7;
	s7 =	simm.s32 @!p0 $0x108  }
0x21: {  	s3 =	sadd.s32 s3, s9;
	s6 =	sadd.s32 @!p0 $0x88, s6;
	s7 =	simm.s32 @p2 $0x1082  }
0x22: {  	[simem:s7], [sflag:s8] =	dma.local @!p0 [hbm:s6], $0xF7A  }
0x23: {  	s9 =	sor.u32 $0xD0000000, s2;
	s6 =	simm.s32 $0x108;
	_ =	swait.ge @!p0 [sflag:s8], $0x0  }
0x24: {  	s3 =	sadd.s32 $0x88, s3;
	s6 =	simm.s32 @!p1 $0x1082;
	[sflag:s4] =	ssyncset.s32 $0xFFFFF086  }
0x25: {  	[simem:s6], [sflag:s4] =	dma.local [hbm:s3], $0xF7A  }
0x26: {  	[smem:$0x3F94] =	sst s1;
	(tag) =	ssettag s2;
	_ =	strace s9  }
0x27: {  	s1 =	sld [smem:$0x3FA4]  }
0x28: {  	s2 =	sld [smem:$0x3FA5]  }
0x29: {  	s4 =	sld [smem:$0x3FA7]  }
0x2a: {  	p0 =	seq.s32 s5, $0x0;
	s5 =	sld [smem:$0x3FA8]  }
0x2b: {  	s6 =	sld [smem:$0x3FA9]  }
0x2c: {  	s7 =	sld [smem:$0x3FAA]  }
0x2d: {  	s3 =	simm.s32 $0x108;
	s8 =	sld [smem:$0x3FAB]  }
0x2e: {  	s3 =	simm.s32 @!p0 $0x1082;
	s9 =	sld [smem:$0x3FAC]  }
0x2f: {  	lr =	sadd.s32 s0, s3;
	s0 =	sld [smem:$0x3FA3]  }
0x30: {  	s3 =	sld [smem:$0x3FA6]  }
0x31: {  	[smem:$0x3FAF] =	sst s10  }
0x32: {  	s10 =	sld [smem:$0x3FAD];
	_ =	sdelay $0x3  }
0x33: {  	p0 =	seq.s32 s10, $0x1;
	s10 =	sld [smem:$0x3FAF];
	_ =	sdelay $0x3  }
0x34: {  	[smem:$0x3FAF] =	sst s10  }
0x35: {  	s10 =	sld [smem:$0x3FAE];
	_ =	sdelay $0x3  }
0x36: {  	p1 =	seq.s32 s10, $0x1;
	s10 =	sld [smem:$0x3FAF];
	_ =	sdelay $0x3  }
0x37: {  	[smem:$0x3FAF] =	sst s10  }
0x38: {  	s10 =	sld [smem:$0x3FB0]  }
0x39: {  	_ = 	snop;
	(pc) =	sbr.ind lr, $3  }
0x3a: {  	_ = 	snop  }
0x3b: {  	_ = 	snop  }
0x3c: {  	p2 =	seq.s32 s10, $0x1;
	s10 =	sld [smem:$0x3FAF]  }
0x3d: {  	_ =	shalt  }
0x3e: {  	_ =	shalt  }
0x3f: {  	_ =	shalt  }
0x40: {  	_ =	shalt  }
0x41: {  	_ =	shalt  }
0x42: {  	_ =	shalt  }
0x43: {  	_ =	shalt  }
0x44: {  	_ =	shalt  }
0x45: {  	_ =	shalt  }
0x46: {  	_ =	shalt  }
0x47: {  	_ =	shalt  }
0x48: {  	_ =	shalt  }
0x49: {  	_ =	shalt  }
0x4a: {  	_ =	shalt  }
0x4b: {  	_ =	shalt  }
0x4c: {  	_ =	shalt  }
0x4d: {  	_ =	shalt  }
0x4e: {  	_ =	shalt  }
0x4f: {  	_ =	shalt  }
0x50: {  	_ =	shalt  }
0x51: {  	_ =	shalt  }
0x52: {  	_ =	shalt  }
0x53: {  	_ =	shalt  }
0x54: {  	_ =	shalt  }
0x55: {  	_ =	shalt  }
0x56: {  	_ =	shalt  }
0x57: {  	_ =	shalt  }
0x58: {  	_ =	shalt  }
0x59: {  	_ =	shalt  }
0x5a: {  	_ =	shalt  }
0x5b: {  	_ =	shalt  }
0x5c: {  	_ =	shalt  }
0x5d: {  	_ =	shalt  }
0x5e: {  	_ =	shalt  }
0x5f: {  	_ =	shalt  }
0x60: {  	_ =	shalt  }
0x61: {  	_ =	shalt  }
0x62: {  	_ =	shalt  }
0x63: {  	_ =	shalt  }
0x64: {  	_ =	shalt  }
0x65: {  	_ =	shalt  }
0x66: {  	_ =	shalt  }
0x67: {  	_ =	shalt  }
0x68: {  	_ =	shalt  }
0x69: {  	_ =	shalt  }
0x6a: {  	_ =	shalt  }
0x6b: {  	_ =	shalt  }
0x6c: {  	_ =	shalt  }
0x6d: {  	_ =	shalt  }
0x6e: {  	_ =	shalt  }
0x6f: {  	_ =	shalt  }
0x70: {  	_ =	shalt  }
0x71: {  	_ =	shalt  }
0x72: {  	_ =	shalt  }
0x73: {  	_ =	shalt  }
0x74: {  	_ =	shalt  }
0x75: {  	_ =	shalt  }
0x76: {  	_ =	shalt  }
0x77: {  	_ =	shalt  }
0x78: {  	_ =	shalt  }
0x79: {  	_ =	shalt  }
0x7a: {  	_ =	shalt  }
0x7b: {  	_ =	shalt  }
0x7c: {  	_ =	shalt  }
0x7d: {  	_ =	shalt  }
0x7e: {  	_ =	shalt  }
0x7f: {  	_ =	shalt  }
0x80: {  	_ =	shalt  }
0x81: {  	_ =	shalt  }
0x82: {  	_ =	shalt  }
0x83: {  	_ =	shalt  }
0x84: {  	_ =	shalt  }
0x85: {  	_ =	shalt  }
0x86: {  	_ =	shalt  }
0x87: {  	_ =	shalt  }
.Lfunc_end0:
.L_simem_size_0:
called_computation_lowered:
.L_overlay_start_0:
0x88: {  	s2 =	sld [smem:$0x3FD9]  }
0x89: {  	s3 =	sld [smem:$0x3FFE];
	_ =	sdelay $0x1  }
0x8a: {  	s1 =	srdreg.scid  }
0x8b: {  	s0 =	sand.u32 $0x1, s1  }
0x8c: {  	s16 =	sshll.u32 s0, $0xA;
	s2 =	sadd.s32 s3, s2  }
0x8d: {  	s2 =	sadd.s32 s2, s16  }
0x8e: {  	[smem:$0x3FBB] =	sst s2  }
0x8f: {  	_ = 	snop  }
0x90: {  	(tm) =	ssettm $0x1  }
0x91: {  	s17 =	sld [smem:$0x3FFB];
	_ =	sdelay $0x3  }
0x92: {  	_ =	strace s17  }
0x93: {  	s2 =	sld [smem:$0x3FFC];
	_ =	sdelay $0x3  }
0x94: {  	_ =	strace s2  }
0x95: {  	s2 =	sld [smem:$0x3FFD];
	_ =	sdelay $0x3  }
0x96: {  	_ =	strace s2  }
0x97: {  	_ =	strace $0x8FFFFFFF  }
0x98: {  	s18 =	sld [smem:$0x3FDB];
	_ =	sdelay $0x1  }
0x99: {  	s19 =	simm.s32 $_scs_section_size  }
0x9a: {  	s4 =	simm.s32 $_size__tile_overlayer_lowered;
	s5 =	simm.s32 $_tile_overlayer_lowered  }
0x9b: {  	s22 =	simm.s32 $0x1BFF;
	s21 =	sshll.u32 s5, $0x1;
	s2 =	sadd.s32 s19, s18  }
0x9c: {  	s6 =	simm.s32 $0x0;
	s20 =	sshll.u32 s4, $0x1;
	s4 =	sadd.s32 s21, s2  }
0x9d: {  	[timem:s6], [sflag:s22] =	dma.local [hbm:s4], s20  }
0x9e: {  	_ =	swait.ge [sflag:s22], s20  }
0x9f: {  	s3 =	ssub.s32 $0x0, s20;
	[sflag:s22] =	ssyncset.done $0x0  }
0xa0: {  	[sflag:s22] =	ssyncadd.s32 s3;
	_ =	sdelay $0x1  }
0xa1: {  	s23 =	simm.s32 $0x1B8B  }
0xa2: {  	_ =	swait.ge [sflag:s23], $0x1  }
0xa3: {  	[sflag:s23] =	ssyncset.done $0x0  }
0xa4: {  	s25 =	simm.s32 $0x1B8E;
	s24 =	sld [smem:$0x3FFE];
	[sflag:s23] =	ssyncadd.s32 $0xFFFFFFFF  }
0xa5: {  	s26 =	simm.s32 $execute0_lowered;
	[smem:$0x3FD2] =	sst s25  }
0xa6: {  	s4 =	sshll.u32 s26, $0x1;
	_ =	strace $0x80000046;
	[dreg:$0x1] =	wrdreg $0xFFFFFFFF  }
0xa7: {  	s28 =	simm.s32 $_size_execute0_lowered;
	s2 =	sadd.s32 s2, s4;
	[dreg:$0x0] =	wrdreg $0x0  }
0xa8: {  	s4 =	sshll.u32 s28, $0x1;
	[dreg:$0x2] =	wrdreg s2  }
0xa9: {  	[dreg:$0x3] =	wrdreg s4  }
0xaa: {  	[dreg:$0x4] =	wrdreg $0xC0  }
0xab: {  	_ =	task [dreg:s6], $0x5FFFF  }
0xac: {  	[dreg:$0x1] =	wrdreg $0xFFFFFFFF  }
0xad: {  	[dreg:$0x0] =	wrdreg $0x60  }
0xae: {  	[dreg:$0x2] =	wrdreg s24  }
0xaf: {  	[dreg:$0x3] =	wrdreg $0x9  }
0xb0: {  	_ =	task.clear_ibuf [dreg:s6], $0x4FFFF;
	_ =	strace $0x90000046  }
0xb1: {  	s29 =	simm.s32 $0x9;
	_ =	strace $0x80000048  }
0xb2: {  	_ =	swait.ge [sflag:s29], $0x1  }
0xb3: {  	[sflag:s29] =	ssyncadd.s32 $0xFFFFFFFF  }
0xb4: {  	_ =	strace $0x90000048  }
0xb5: {  	_ =	sfence  }
0xb6: {  	s30 =	sld [smem:$0x0];
	_ =	sdelay $0x2  }
0xb7: {  	s31 =	sshll.u32 s1, $0xD;
	s1 =	sshrl.u32 s1, $0x2  }
0xb8: {  	s3 =	sand.u32 $0x4000, s31;
	s1 =	sadd.s32 s1, s30  }
0xb9: {  	s0 =	sor.u32 s3, s0;
	s1 =	sshll.u32 s1, $0x11  }
0xba: {  	s0 =	sor.u32 s1, s0  }
0xbb: {  	s0 =	sadd.s32 $0x8F2B, s0  }
0xbc: {  	[sflag:s0] =	ssyncadd.remote.s32 $0x1  }
0xbd: {  	_ =	sfence.sel $0xFFFF  }
0xbe: {  	[dreg:$0x0] =	wrdreg $0xFFFFFFFF;
	(pc) =	sbr.abs _section_cstart, $3  }
0xbf: {  	[dreg:$0x1] =	wrdreg $0xFFFFFFFF  }
0xc0: {  	_ =	task.clear_ibuf [dreg:s6], $0x2FFFF;
	_ =	strace $0x9FFFFFFF  }
0xc1: {  	(tm) =	ssettm $0x7FFFFFFF  }
tec
execute0_lowered:
.L_overlay_start_1:
0x0: {  	(tag) =	ssettag $0x1  }
0x1: {  	s0 =	srdreg.scid  }
0x2: {  	s2 =	stileid.u32;
	s1 =	rddreg [dreg:$0x0];
	s11 =	simm.s32 $0x9  }
0x3: {  	s12 =	simm.s32 $0x80;
	s19 =	simm.s32 $0xC00;
	s20 =	simm.s32 $0xCD00  }
0x4: {  	s21 =	simm.s32 $0xC80;
	s22 =	simm.s32 $0xD500;
	s23 =	simm.s32 $0x1  }
0x5: {  	s24 =	simm.s32 $0x2;
	s25 =	simm.s32 $0x3;
	s26 =	simm.s32 $0x4  }
0x6: {  	s28 =	simm.s32 $0x5;
	s29 =	simm.s32 $0x6;
	s30 =	simm.s32 $0x7  }
0x7: {  	s31 =	simm.s32 $0x8;
	s0 =	sand.u32 $0x1, s0;
	s3 =	sshll.u32 s2, $0x1  }
0x8: {  	s2 =	simm.s32 $0x0;
	s4 =	sadd.s32 $0x5400, s1;
	s8 =	sadd.s32 $0x25400, s1  }
0x9: {  	s9 =	sadd.s32 $0x35400, s1;
	s6 =	sor.u32 s0, s3;
	s0 =	ssub.s32 $0x2, s0  }
0xa: {  	[smem:$0x7FF] =	sst s2;
	s3 =	smul.u32 $0x1A0, s6;
	s7 =	sshrl.u32 s0, $0x1  }
0xb: {  	_ =	strace $0x80000047;
	s6 =	sshll.u32 s6, $0xB;
	s0 =	ssub.s32 s0, s7  }
0xc: {  	s7 =	sadd.s32 $0x15400, s1;
	s5 =	sadd.s32 s3, s1;
	s3 =	sadd.s32 $0xF44400, s1  }
0xd: {  	v0 =	vimm.f32 $0.0e+00;
	s10 =	smax.u32 s0, $0x1;
	s1 =	simm.s32 $0x0;
	s5 =	sadd.s32 $0x2000, s5  }
.LBB2_1:
0xe: {  	[tilespmem:s2], [sflag:$0x9] =	stream.linear.gather [hbm4b:s5+s2], $0xD00, $0x38;
	[tilespmem:$0x15D00] =	vst v63  }
0xf: {  	_ =	swait.ge [sflag:s11], $0xD00  }
0x10: {  	[sflag:s11] =	ssyncset.done $0x0  }
0x11: {  	s0 =	simm.s32 $0xD00;
	[sflag:s11] =	ssyncadd.s32 $0xFFFFF300  }
0x12: {  	[tilespmem:s0], [sflag:$0x1] =	stream.indirect.gather [hbm4b:s3+s12], $0x10, s2, s12, $0xb8;
	[tilespmem:$0x15D00] =	vst v63  }
0x13: {  	s17 =	simm.s32 $0x1500  }
0x14: {  	[tilespmem:s17], [sflag:$0x2] =	stream.indirect.gather [hbm4b:s3+s12], $0x10, s12, s12, $0xb8;
	[tilespmem:$0x15D00] =	vst v63  }
0x15: {  	s18 =	simm.s32 $0x100;
	s13 =	simm.s32 $0x1D00  }
0x16: {  	[tilespmem:s13], [sflag:$0x3] =	stream.indirect.gather [hbm4b:s3+s12], $0x10, s18, s12, $0xb8;
	[tilespmem:$0x15D00] =	vst v63  }
0x17: {  	s14 =	simm.s32 $0x2500;
	s13 =	simm.s32 $0x180  }
0x18: {  	[tilespmem:s14], [sflag:$0x4] =	stream.indirect.gather [hbm4b:s3+s12], $0x10, s13, s12, $0xb8;
	[tilespmem:$0x15D00] =	vst v63  }
0x19: {  	s15 =	simm.s32 $0x200;
	s16 =	simm.s32 $0x2D00  }
0x1a: {  	[tilespmem:s16], [sflag:$0x5] =	stream.indirect.gather [hbm4b:s3+s12], $0x10, s15, s12, $0xb8;
	[tilespmem:$0x15D00] =	vst v63  }
0x1b: {  	s17 =	simm.s32 $0x280;
	s18 =	simm.s32 $0x3500  }
0x1c: {  	[tilespmem:s18], [sflag:$0x6] =	stream.indirect.gather [hbm4b:s3+s12], $0x10, s17, s12, $0xb8;
	[tilespmem:$0x15D00] =	vst v63  }
0x1d: {  	s13 =	simm.s32 $0x300;
	s14 =	simm.s32 $0x3D00  }
0x1e: {  	[tilespmem:s14], [sflag:$0x7] =	stream.indirect.gather [hbm4b:s3+s12], $0x10, s13, s12, $0xb8;
	[tilespmem:$0x15D00] =	vst v63  }
0x1f: {  	s15 =	simm.s32 $0x380;
	s16 =	simm.s32 $0x4500  }
0x20: {  	[tilespmem:s16], [sflag:$0x8] =	stream.indirect.gather [hbm4b:s3+s12], $0x10, s15, s12, $0xb8;
	[tilespmem:$0x15D00] =	vst v63  }
0x21: {  	s17 =	simm.s32 $0x400;
	s18 =	simm.s32 $0x4D00  }
0x22: {  	[tilespmem:s18], [sflag:$0x1] =	stream.indirect.gather [hbm4b:s3+s12], $0x10, s17, s12, $0xb8;
	[tilespmem:$0x15D00] =	vst v63  }
0x23: {  	s13 =	simm.s32 $0x480;
	s14 =	simm.s32 $0x5500  }
0x24: {  	[tilespmem:s14], [sflag:$0x2] =	stream.indirect.gather [hbm4b:s3+s12], $0x10, s13, s12, $0xb8;
	[tilespmem:$0x15D00] =	vst v63  }
0x25: {  	s15 =	simm.s32 $0x500;
	s16 =	simm.s32 $0x5D00  }
0x26: {  	[tilespmem:s16], [sflag:$0x3] =	stream.indirect.gather [hbm4b:s3+s12], $0x10, s15, s12, $0xb8;
	[tilespmem:$0x15D00] =	vst v63  }
0x27: {  	s17 =	simm.s32 $0x580;
	s18 =	simm.s32 $0x6500  }
0x28: {  	[tilespmem:s18], [sflag:$0x4] =	stream.indirect.gather [hbm4b:s3+s12], $0x10, s17, s12, $0xb8;
	[tilespmem:$0x15D00] =	vst v63  }
0x29: {  	s13 =	simm.s32 $0x600;
	s14 =	simm.s32 $0x6D00  }
0x2a: {  	[tilespmem:s14], [sflag:$0x5] =	stream.indirect.gather [hbm4b:s3+s12], $0x10, s13, s12, $0xb8;
	[tilespmem:$0x15D00] =	vst v63  }
0x2b: {  	s15 =	simm.s32 $0x680;
	s16 =	simm.s32 $0x7500  }
0x2c: {  	[tilespmem:s16], [sflag:$0x6] =	stream.indirect.gather [hbm4b:s3+s12], $0x10, s15, s12, $0xb8;
	[tilespmem:$0x15D00] =	vst v63  }
0x2d: {  	s17 =	simm.s32 $0x700;
	s18 =	simm.s32 $0x7D00  }
0x2e: {  	[tilespmem:s18], [sflag:$0x7] =	stream.indirect.gather [hbm4b:s3+s12], $0x10, s17, s12, $0xb8;
	[tilespmem:$0x15D00] =	vst v63  }
0x2f: {  	s13 =	simm.s32 $0x780;
	s14 =	simm.s32 $0x8500  }
0x30: {  	[tilespmem:s14], [sflag:$0x8] =	stream.indirect.gather [hbm4b:s3+s12], $0x10, s13, s12, $0xb8;
	[tilespmem:$0x15D00] =	vst v63  }
0x31: {  	s15 =	simm.s32 $0x800;
	s16 =	simm.s32 $0x8D00  }
0x32: {  	[tilespmem:s16], [sflag:$0x1] =	stream.indirect.gather [hbm4b:s3+s12], $0x10, s15, s12, $0xb8;
	[tilespmem:$0x15D00] =	vst v63  }
0x33: {  	s17 =	simm.s32 $0x880;
	s18 =	simm.s32 $0x9500  }
0x34: {  	[tilespmem:s18], [sflag:$0x2] =	stream.indirect.gather [hbm4b:s3+s12], $0x10, s17, s12, $0xb8;
	[tilespmem:$0x15D00] =	vst v63  }
0x35: {  	s13 =	simm.s32 $0x900;
	s14 =	simm.s32 $0x9D00  }
0x36: {  	[tilespmem:s14], [sflag:$0x3] =	stream.indirect.gather [hbm4b:s3+s12], $0x10, s13, s12, $0xb8;
	[tilespmem:$0x15D00] =	vst v63  }
0x37: {  	s15 =	simm.s32 $0x980;
	s16 =	simm.s32 $0xA500  }
0x38: {  	[tilespmem:s16], [sflag:$0x4] =	stream.indirect.gather [hbm4b:s3+s12], $0x10, s15, s12, $0xb8;
	[tilespmem:$0x15D00] =	vst v63  }
0x39: {  	s17 =	simm.s32 $0xA00;
	s18 =	simm.s32 $0xAD00  }
0x3a: {  	[tilespmem:s18], [sflag:$0x5] =	stream.indirect.gather [hbm4b:s3+s12], $0x10, s17, s12, $0xb8;
	[tilespmem:$0x15D00] =	vst v63  }
0x3b: {  	s13 =	simm.s32 $0xA80;
	s14 =	simm.s32 $0xB500  }
0x3c: {  	[tilespmem:s14], [sflag:$0x6] =	stream.indirect.gather [hbm4b:s3+s12], $0x10, s13, s12, $0xb8;
	[tilespmem:$0x15D00] =	vst v63  }
0x3d: {  	s15 =	simm.s32 $0xB00;
	s16 =	simm.s32 $0xBD00  }
0x3e: {  	[tilespmem:s16], [sflag:$0x7] =	stream.indirect.gather [hbm4b:s3+s12], $0x10, s15, s12, $0xb8;
	[tilespmem:$0x15D00] =	vst v63  }
0x3f: {  	s17 =	simm.s32 $0xB80;
	s18 =	simm.s32 $0xC500  }
0x40: {  	[tilespmem:s18], [sflag:$0x8] =	stream.indirect.gather [hbm4b:s3+s12], $0x10, s17, s12, $0xb8;
	[tilespmem:$0x15D00] =	vst v63  }
0x41: {  	_ = 	snop  }
0x42: {  	[tilespmem:s20], [sflag:$0x1] =	stream.indirect.gather [hbm4b:s3+s12], $0x10, s19, s12, $0xb8;
	[tilespmem:$0x15D00] =	vst v63  }
0x43: {  	_ = 	snop  }
0x44: {  	[tilespmem:s22], [sflag:$0x2] =	stream.indirect.gather [hbm4b:s3+s12], $0x10, s21, s12, $0xb8;
	[tilespmem:$0x15D00] =	vst v63  }
0x45: {  	_ =	swait.ge [sflag:s23], $0x800  }
0x46: {  	[sflag:s23] =	ssyncset.done $0x0  }
0x47: {  	[sflag:s23] =	ssyncadd.s32 $0xFFFFF800  }
0x48: {  	_ =	swait.ge [sflag:s24], $0x800  }
0x49: {  	[sflag:s24] =	ssyncset.done $0x0  }
0x4a: {  	[sflag:s24] =	ssyncadd.s32 $0xFFFFF800  }
0x4b: {  	_ =	swait.ge [sflag:s25], $0x800  }
0x4c: {  	[sflag:s25] =	ssyncset.done $0x0  }
0x4d: {  	[sflag:s25] =	ssyncadd.s32 $0xFFFFF800  }
0x4e: {  	_ =	swait.ge [sflag:s26], $0x800  }
0x4f: {  	[sflag:s26] =	ssyncset.done $0x0  }
0x50: {  	[sflag:s26] =	ssyncadd.s32 $0xFFFFF800  }
0x51: {  	_ =	swait.ge [sflag:s28], $0x800  }
0x52: {  	[sflag:s28] =	ssyncset.done $0x0  }
0x53: {  	[sflag:s28] =	ssyncadd.s32 $0xFFFFF800  }
0x54: {  	_ =	swait.ge [sflag:s29], $0x800  }
0x55: {  	[sflag:s29] =	ssyncset.done $0x0  }
0x56: {  	[sflag:s29] =	ssyncadd.s32 $0xFFFFF800  }
0x57: {  	_ =	swait.ge [sflag:s30], $0x800  }
0x58: {  	[sflag:s30] =	ssyncset.done $0x0  }
0x59: {  	[sflag:s30] =	ssyncadd.s32 $0xFFFFF800  }
0x5a: {  	_ =	swait.ge [sflag:s31], $0x800  }
0x5b: {  	[sflag:s31] =	ssyncset.done $0x0  }
0x5c: {  	[sflag:s31] =	ssyncadd.s32 $0xFFFFF800  }
0x5d: {  	_ =	swait.ge [sflag:s23], $0x800  }
0x5e: {  	[sflag:s23] =	ssyncset.done $0x0  }
0x5f: {  	[sflag:s23] =	ssyncadd.s32 $0xFFFFF800  }
0x60: {  	_ =	swait.ge [sflag:s24], $0x800  }
0x61: {  	[sflag:s24] =	ssyncset.done $0x0  }
0x62: {  	[sflag:s24] =	ssyncadd.s32 $0xFFFFF800  }
0x63: {  	_ =	swait.ge [sflag:s25], $0x800  }
0x64: {  	[sflag:s25] =	ssyncset.done $0x0  }
0x65: {  	[sflag:s25] =	ssyncadd.s32 $0xFFFFF800  }
0x66: {  	_ =	swait.ge [sflag:s26], $0x800  }
0x67: {  	[sflag:s26] =	ssyncset.done $0x0  }
0x68: {  	[sflag:s26] =	ssyncadd.s32 $0xFFFFF800  }
0x69: {  	_ =	swait.ge [sflag:s28], $0x800  }
0x6a: {  	[sflag:s28] =	ssyncset.done $0x0  }
0x6b: {  	[sflag:s28] =	ssyncadd.s32 $0xFFFFF800  }
0x6c: {  	_ =	swait.ge [sflag:s29], $0x800  }
0x6d: {  	[sflag:s29] =	ssyncset.done $0x0  }
0x6e: {  	[sflag:s29] =	ssyncadd.s32 $0xFFFFF800  }
0x6f: {  	_ =	swait.ge [sflag:s30], $0x800  }
0x70: {  	[sflag:s30] =	ssyncset.done $0x0  }
0x71: {  	[sflag:s30] =	ssyncadd.s32 $0xFFFFF800  }
0x72: {  	_ =	swait.ge [sflag:s31], $0x800  }
0x73: {  	[sflag:s31] =	ssyncset.done $0x0  }
0x74: {  	[sflag:s31] =	ssyncadd.s32 $0xFFFFF800  }
0x75: {  	_ =	swait.ge [sflag:s23], $0x800  }
0x76: {  	[sflag:s23] =	ssyncset.done $0x0  }
0x77: {  	[sflag:s23] =	ssyncadd.s32 $0xFFFFF800  }
0x78: {  	_ =	swait.ge [sflag:s24], $0x800  }
0x79: {  	[sflag:s24] =	ssyncset.done $0x0  }
0x7a: {  	[sflag:s24] =	ssyncadd.s32 $0xFFFFF800  }
0x7b: {  	_ =	swait.ge [sflag:s25], $0x800  }
0x7c: {  	[sflag:s25] =	ssyncset.done $0x0  }
0x7d: {  	[sflag:s25] =	ssyncadd.s32 $0xFFFFF800  }
0x7e: {  	_ =	swait.ge [sflag:s26], $0x800  }
0x7f: {  	[sflag:s26] =	ssyncset.done $0x0  }
0x80: {  	[sflag:s26] =	ssyncadd.s32 $0xFFFFF800  }
0x81: {  	_ =	swait.ge [sflag:s28], $0x800  }
0x82: {  	[sflag:s28] =	ssyncset.done $0x0  }
0x83: {  	[sflag:s28] =	ssyncadd.s32 $0xFFFFF800  }
0x84: {  	_ =	swait.ge [sflag:s29], $0x800  }
0x85: {  	[sflag:s29] =	ssyncset.done $0x0  }
0x86: {  	[sflag:s29] =	ssyncadd.s32 $0xFFFFF800  }
0x87: {  	_ =	swait.ge [sflag:s30], $0x800  }
0x88: {  	[sflag:s30] =	ssyncset.done $0x0  }
0x89: {  	[sflag:s30] =	ssyncadd.s32 $0xFFFFF800  }
0x8a: {  	_ =	swait.ge [sflag:s31], $0x800  }
0x8b: {  	[sflag:s31] =	ssyncset.done $0x0  }
0x8c: {  	[sflag:s31] =	ssyncadd.s32 $0xFFFFF800  }
0x8d: {  	_ =	swait.ge [sflag:s23], $0x800  }
0x8e: {  	[sflag:s23] =	ssyncset.done $0x0  }
0x8f: {  	[sflag:s23] =	ssyncadd.s32 $0xFFFFF800  }
0x90: {  	_ =	swait.ge [sflag:s24], $0x800  }
0x91: {  	p0 =	por $0x0, $0x0;
	[sflag:s24] =	ssyncset.done $0x0  }
0x92: {  	s0 =	simm.s32 $0xE90;
	s13 =	simm.s32 $0x0;
	[sflag:s24] =	ssyncadd.s32 $0xFFFFF800  }
.LBB2_2:
0x93: {  	v1 =	vmov s0;
	_ =	sdelay $0x3  }
0x94: {  	s14 =	simm.s32 $0x0  }
0x95: {  	v2 =	vld.idx.msk [tilespmem:v1+s14+$0xFFFFFE70 ss:$0x1], $0xffff  }
0x96: {  	s15 =	simm.s32 $0x1  }
0x97: {  	s15 =	simm.s32 @!p0 $0x0  }
0x98: {  	s15 =	sshll.u32 s15, $0xE  }
0x99: {  	s16 =	sadd.s32 $0xFD00, s15  }
0x9a: {  	[tilespmem:s16+$0xFFFFE000] =	vst v2  }
0x9b: {  	v2 =	vld.idx.msk [tilespmem:v1+s14+$0xFFFFFE80 ss:$0x1], $0xffff;
	_ =	sdelay $0x4  }
0x9c: {  	[tilespmem:s16+$0xFFFFE010] =	vst v2  }
0x9d: {  	v2 =	vld.idx.msk [tilespmem:v1+s14+$0xFFFFFE90 ss:$0x1], $0xffff;
	_ =	sdelay $0x4  }
0x9e: {  	[tilespmem:s16+$0xFFFFE020] =	vst v2  }
0x9f: {  	v2 =	vld.idx.msk [tilespmem:v1+s14+$0xFFFFFEA0 ss:$0x1], $0xffff;
	_ =	sdelay $0x4  }
0xa0: {  	[tilespmem:s16+$0xFFFFE030] =	vst v2  }
0xa1: {  	v2 =	vld.idx.msk [tilespmem:v1+s14+$0xFFFFFEB0 ss:$0x1], $0xffff;
	_ =	sdelay $0x4  }
0xa2: {  	[tilespmem:s16+$0xFFFFE040] =	vst v2  }
0xa3: {  	v2 =	vld.idx.msk [tilespmem:v1+s14+$0xFFFFFEC0 ss:$0x1], $0xffff;
	_ =	sdelay $0x4  }
0xa4: {  	[tilespmem:s16+$0xFFFFE050] =	vst v2  }
0xa5: {  	v2 =	vld.idx.msk [tilespmem:v1+s14+$0xFFFFFED0 ss:$0x1], $0xffff;
	_ =	sdelay $0x4  }
0xa6: {  	[tilespmem:s16+$0xFFFFE060] =	vst v2  }
0xa7: {  	v2 =	vld.idx.msk [tilespmem:v1+s14+$0xFFFFFEE0 ss:$0x1], $0xffff;
	_ =	sdelay $0x4  }
0xa8: {  	[tilespmem:s16+$0xFFFFE070] =	vst v2  }
0xa9: {  	v2 =	vld.idx.msk [tilespmem:v1+s14+$0xFFFFFEF0 ss:$0x1], $0xffff;
	_ =	sdelay $0x4  }
0xaa: {  	[tilespmem:s16+$0xFFFFF000] =	vst v2  }
0xab: {  	v2 =	vld.idx.msk [tilespmem:v1+s14+$0xFFFFFF00 ss:$0x1], $0xffff;
	_ =	sdelay $0x4  }
0xac: {  	[tilespmem:s16+$0xFFFFF010] =	vst v2  }
0xad: {  	v2 =	vld.idx.msk [tilespmem:v1+s14+$0xFFFFFF10 ss:$0x1], $0xffff;
	_ =	sdelay $0x4  }
0xae: {  	[tilespmem:s16+$0xFFFFF020] =	vst v2  }
0xaf: {  	v2 =	vld.idx.msk [tilespmem:v1+s14+$0xFFFFFF20 ss:$0x1], $0xffff;
	_ =	sdelay $0x4  }
0xb0: {  	[tilespmem:s16+$0xFFFFF030] =	vst v2  }
0xb1: {  	v2 =	vld.idx.msk [tilespmem:v1+s14+$0xFFFFFF30 ss:$0x1], $0xffff;
	_ =	sdelay $0x4  }
0xb2: {  	[tilespmem:s16+$0xFFFFF040] =	vst v2  }
0xb3: {  	v2 =	vld.idx.msk [tilespmem:v1+s14+$0xFFFFFF40 ss:$0x1], $0xffff;
	_ =	sdelay $0x4  }
0xb4: {  	[tilespmem:s16+$0xFFFFF050] =	vst v2  }
0xb5: {  	v2 =	vld.idx.msk [tilespmem:v1+s14+$0xFFFFFF50 ss:$0x1], $0xffff;
	_ =	sdelay $0x4  }
0xb6: {  	[tilespmem:s16+$0xFFFFF060] =	vst v2  }
0xb7: {  	v2 =	vld.idx.msk [tilespmem:v1+s14+$0xFFFFFF60 ss:$0x1], $0xffff;
	_ =	sdelay $0x4  }
0xb8: {  	[tilespmem:s16+$0xFFFFF070] =	vst v2  }
0xb9: {  	v2 =	vld.idx.msk [tilespmem:v1+s14+$0xFFFFFF70 ss:$0x1], $0xffff;
	_ =	sdelay $0x4  }
0xba: {  	[tilespmem:s16+$0x0] =	vst v2  }
0xbb: {  	v2 =	vld.idx.msk [tilespmem:v1+s14+$0xFFFFFF80 ss:$0x1], $0xffff;
	_ =	sdelay $0x4  }
0xbc: {  	[tilespmem:s16+$0x10] =	vst v2  }
0xbd: {  	v2 =	vld.idx.msk [tilespmem:v1+s14+$0xFFFFFF90 ss:$0x1], $0xffff;
	_ =	sdelay $0x4  }
0xbe: {  	[tilespmem:s16+$0x20] =	vst v2  }
0xbf: {  	v2 =	vld.idx.msk [tilespmem:v1+s14+$0xFFFFFFA0 ss:$0x1], $0xffff;
	_ =	sdelay $0x4  }
0xc0: {  	[tilespmem:s16+$0x30] =	vst v2  }
0xc1: {  	v2 =	vld.idx.msk [tilespmem:v1+s14+$0xFFFFFFB0 ss:$0x1], $0xffff;
	_ =	sdelay $0x4  }
0xc2: {  	[tilespmem:s16+$0x40] =	vst v2  }
0xc3: {  	v2 =	vld.idx.msk [tilespmem:v1+s14+$0xFFFFFFC0 ss:$0x1], $0xffff;
	_ =	sdelay $0x4  }
0xc4: {  	[tilespmem:s16+$0x50] =	vst v2  }
0xc5: {  	v2 =	vld.idx.msk [tilespmem:v1+s14+$0xFFFFFFD0 ss:$0x1], $0xffff;
	_ =	sdelay $0x4  }
0xc6: {  	[tilespmem:s16+$0x60] =	vst v2  }
0xc7: {  	v2 =	vld.idx.msk [tilespmem:v1+s14+$0xFFFFFFE0 ss:$0x1], $0xffff;
	_ =	sdelay $0x4  }
0xc8: {  	[tilespmem:s16+$0x70] =	vst v2  }
0xc9: {  	v2 =	vld.idx.msk [tilespmem:v1+s14+$0xFFFFFFF0 ss:$0x1], $0xffff;
	_ =	sdelay $0x4  }
0xca: {  	[tilespmem:s16+$0x1000] =	vst v2  }
0xcb: {  	v2 =	vld.idx.msk [tilespmem:v1+s14+$0x0 ss:$0x1], $0xffff;
	[tilespmem:s16+$0x1020] =	vst v0  }
0xcc: {  	[tilespmem:s16+$0x1030] =	vst v0  }
0xcd: {  	[tilespmem:s16+$0x1040] =	vst v0  }
0xce: {  	[tilespmem:s16+$0x1050] =	vst v0  }
0xcf: {  	s18 =	sshll.u32 s13, $0xE;
	[tilespmem:s16+$0x1060] =	vst v0  }
0xd0: {  	s14 =	sand.u32 $0x4000, s18;
	[tilespmem:s16+$0x1070] =	vst v0  }
0xd1: {  	s17 =	simm.s32 $0x1A0;
	s18 =	simm.s32 $0xD00;
	s15 =	sadd.s32 $0xDD00, s14;
	[tilespmem:s16+$0x1010] =	vst v2  }
.LBB2_3:
0xd2: {  	p1 =	sne.s32 s18, $0xC980;
	v2 =	vld.idx.msk [tilespmem:v1+s17+$0xFFFFFE70 ss:$0x1], $0xffff;
	_ =	sdelay $0x4  }
0xd3: {  	s16 =	sadd.s32 $0x80, s16  }
0xd4: {  	[tilespmem:s16+$0xFFFFE000] =	vst v2  }
0xd5: {  	v2 =	vld.idx.msk [tilespmem:v1+s17+$0xFFFFFE80 ss:$0x1], $0xffff;
	_ =	sdelay $0x5  }
0xd6: {  	[tilespmem:s16+$0xFFFFE010] =	vst v2  }
0xd7: {  	v2 =	vld.idx.msk [tilespmem:v1+s17+$0xFFFFFE90 ss:$0x1], $0xffff;
	_ =	sdelay $0x5  }
0xd8: {  	[tilespmem:s16+$0xFFFFE020] =	vst v2  }
0xd9: {  	v2 =	vld.idx.msk [tilespmem:v1+s17+$0xFFFFFEA0 ss:$0x1], $0xffff;
	_ =	sdelay $0x5  }
0xda: {  	[tilespmem:s16+$0xFFFFE030] =	vst v2  }
0xdb: {  	v2 =	vld.idx.msk [tilespmem:v1+s17+$0xFFFFFEB0 ss:$0x1], $0xffff;
	_ =	sdelay $0x5  }
0xdc: {  	[tilespmem:s16+$0xFFFFE040] =	vst v2  }
0xdd: {  	v2 =	vld.idx.msk [tilespmem:v1+s17+$0xFFFFFEC0 ss:$0x1], $0xffff;
	_ =	sdelay $0x5  }
0xde: {  	[tilespmem:s16+$0xFFFFE050] =	vst v2  }
0xdf: {  	v2 =	vld.idx.msk [tilespmem:v1+s17+$0xFFFFFED0 ss:$0x1], $0xffff;
	_ =	sdelay $0x5  }
0xe0: {  	[tilespmem:s16+$0xFFFFE060] =	vst v2  }
0xe1: {  	v2 =	vld.idx.msk [tilespmem:v1+s17+$0xFFFFFEE0 ss:$0x1], $0xffff;
	_ =	sdelay $0x5  }
0xe2: {  	[tilespmem:s16+$0xFFFFE070] =	vst v2  }
0xe3: {  	v2 =	vld.idx.msk [tilespmem:v1+s17+$0xFFFFFEF0 ss:$0x1], $0xffff;
	_ =	sdelay $0x5  }
0xe4: {  	[tilespmem:s16+$0xFFFFF000] =	vst v2  }
0xe5: {  	v2 =	vld.idx.msk [tilespmem:v1+s17+$0xFFFFFF00 ss:$0x1], $0xffff;
	_ =	sdelay $0x5  }
0xe6: {  	[tilespmem:s16+$0xFFFFF010] =	vst v2  }
0xe7: {  	v2 =	vld.idx.msk [tilespmem:v1+s17+$0xFFFFFF10 ss:$0x1], $0xffff;
	_ =	sdelay $0x5  }
0xe8: {  	[tilespmem:s16+$0xFFFFF020] =	vst v2  }
0xe9: {  	v2 =	vld.idx.msk [tilespmem:v1+s17+$0xFFFFFF20 ss:$0x1], $0xffff;
	_ =	sdelay $0x5  }
0xea: {  	[tilespmem:s16+$0xFFFFF030] =	vst v2  }
0xeb: {  	v2 =	vld.idx.msk [tilespmem:v1+s17+$0xFFFFFF30 ss:$0x1], $0xffff;
	_ =	sdelay $0x5  }
0xec: {  	[tilespmem:s16+$0xFFFFF040] =	vst v2  }
0xed: {  	v2 =	vld.idx.msk [tilespmem:v1+s17+$0xFFFFFF40 ss:$0x1], $0xffff;
	_ =	sdelay $0x5  }
0xee: {  	[tilespmem:s16+$0xFFFFF050] =	vst v2  }
0xef: {  	v2 =	vld.idx.msk [tilespmem:v1+s17+$0xFFFFFF50 ss:$0x1], $0xffff;
	_ =	sdelay $0x5  }
0xf0: {  	[tilespmem:s16+$0xFFFFF060] =	vst v2  }
0xf1: {  	v2 =	vld.idx.msk [tilespmem:v1+s17+$0xFFFFFF60 ss:$0x1], $0xffff;
	_ =	sdelay $0x5  }
0xf2: {  	[tilespmem:s16+$0xFFFFF070] =	vst v2  }
0xf3: {  	v2 =	vld.idx.msk [tilespmem:v1+s17+$0xFFFFFF70 ss:$0x1], $0xffff;
	_ =	sdelay $0x5  }
0xf4: {  	[tilespmem:s16+$0x0] =	vst v2  }
0xf5: {  	v2 =	vld.idx.msk [tilespmem:v1+s17+$0xFFFFFF80 ss:$0x1], $0xffff;
	_ =	sdelay $0x5  }
0xf6: {  	[tilespmem:s16+$0x10] =	vst v2  }
0xf7: {  	v2 =	vld.idx.msk [tilespmem:v1+s17+$0xFFFFFF90 ss:$0x1], $0xffff;
	_ =	sdelay $0x5  }
0xf8: {  	[tilespmem:s16+$0x20] =	vst v2  }
0xf9: {  	v2 =	vld.idx.msk [tilespmem:v1+s17+$0xFFFFFFA0 ss:$0x1], $0xffff;
	_ =	sdelay $0x5  }
0xfa: {  	[tilespmem:s16+$0x30] =	vst v2  }
0xfb: {  	v2 =	vld.idx.msk [tilespmem:v1+s17+$0xFFFFFFB0 ss:$0x1], $0xffff;
	_ =	sdelay $0x5  }
0xfc: {  	[tilespmem:s16+$0x40] =	vst v2  }
0xfd: {  	v2 =	vld.idx.msk [tilespmem:v1+s17+$0xFFFFFFC0 ss:$0x1], $0xffff;
	_ =	sdelay $0x5  }
0xfe: {  	[tilespmem:s16+$0x50] =	vst v2  }
0xff: {  	v2 =	vld.idx.msk [tilespmem:v1+s17+$0xFFFFFFD0 ss:$0x1], $0xffff;
	_ =	sdelay $0x5  }
0x100: {  	[tilespmem:s16+$0x60] =	vst v2  }
0x101: {  	v2 =	vld.idx.msk [tilespmem:v1+s17+$0xFFFFFFE0 ss:$0x1], $0xffff;
	_ =	sdelay $0x5  }
0x102: {  	[tilespmem:s16+$0x70] =	vst v2  }
0x103: {  	v2 =	vld.idx.msk [tilespmem:v1+s17+$0xFFFFFFF0 ss:$0x1], $0xffff;
	_ =	sdelay $0x5  }
0x104: {  	[tilespmem:s16+$0x1000] =	vst v2  }
0x105: {  	v2 =	vld.idx.msk [tilespmem:v1+s17+$0x0 ss:$0x1], $0xffff;
	[tilespmem:s16+$0x1020] =	vst v0  }
0x106: {  	[tilespmem:s16+$0x1030] =	vst v0  }
.Ltmp0:
0x107: {  	[tilespmem:s16+$0x1040] =	vst v0;
	(pc) =	sbr.rel @p1 .LBB2_3-.Ltmp0, $4  }
0x108: {  	[tilespmem:s16+$0x1050] =	vst v0  }
0x109: {  	[tilespmem:s16+$0x1060] =	vst v0  }
0x10a: {  	[tilespmem:s16+$0x1070] =	vst v0  }
0x10b: {  	s17 =	sshra.s32 s18, $0x2;
	s18 =	sadd.s32 $0x680, s18;
	[tilespmem:s16+$0x1010] =	vst v2  }
0x10c: {  	_ =	sdelay $0x3  }
0x10d: {  	v2 =	vld.idx.msk [tilespmem:v1+s17+$0xFFFFFE70 ss:$0x1], $0xffff;
	_ =	sdelay $0x3  }
0x10e: {  	s16 =	sadd.s32 $0x80, s16  }
0x10f: {  	[tilespmem:s16+$0xFFFFE000] =	vst v2  }
0x110: {  	v2 =	vld.idx.msk [tilespmem:v1+s17+$0xFFFFFE80 ss:$0x1], $0xffff;
	_ =	sdelay $0x4  }
0x111: {  	[tilespmem:s16+$0xFFFFE010] =	vst v2  }
0x112: {  	v2 =	vld.idx.msk [tilespmem:v1+s17+$0xFFFFFE90 ss:$0x1], $0xffff;
	_ =	sdelay $0x4  }
0x113: {  	[tilespmem:s16+$0xFFFFE020] =	vst v2  }
0x114: {  	v2 =	vld.idx.msk [tilespmem:v1+s17+$0xFFFFFEA0 ss:$0x1], $0xffff;
	_ =	sdelay $0x4  }
0x115: {  	[tilespmem:s16+$0xFFFFE030] =	vst v2  }
0x116: {  	v2 =	vld.idx.msk [tilespmem:v1+s17+$0xFFFFFEB0 ss:$0x1], $0xffff;
	_ =	sdelay $0x4  }
0x117: {  	[tilespmem:s16+$0xFFFFE040] =	vst v2  }
0x118: {  	v2 =	vld.idx.msk [tilespmem:v1+s17+$0xFFFFFEC0 ss:$0x1], $0xffff;
	_ =	sdelay $0x4  }
0x119: {  	[tilespmem:s16+$0xFFFFE050] =	vst v2  }
0x11a: {  	v2 =	vld.idx.msk [tilespmem:v1+s17+$0xFFFFFED0 ss:$0x1], $0xffff;
	_ =	sdelay $0x4  }
0x11b: {  	[tilespmem:s16+$0xFFFFE060] =	vst v2  }
0x11c: {  	v2 =	vld.idx.msk [tilespmem:v1+s17+$0xFFFFFEE0 ss:$0x1], $0xffff;
	_ =	sdelay $0x4  }
0x11d: {  	[tilespmem:s16+$0xFFFFE070] =	vst v2  }
0x11e: {  	v2 =	vld.idx.msk [tilespmem:v1+s17+$0xFFFFFEF0 ss:$0x1], $0xffff;
	_ =	sdelay $0x4  }
0x11f: {  	[tilespmem:s16+$0xFFFFF000] =	vst v2  }
0x120: {  	v2 =	vld.idx.msk [tilespmem:v1+s17+$0xFFFFFF00 ss:$0x1], $0xffff;
	_ =	sdelay $0x4  }
0x121: {  	[tilespmem:s16+$0xFFFFF010] =	vst v2  }
0x122: {  	v2 =	vld.idx.msk [tilespmem:v1+s17+$0xFFFFFF10 ss:$0x1], $0xffff;
	_ =	sdelay $0x4  }
0x123: {  	[tilespmem:s16+$0xFFFFF020] =	vst v2  }
0x124: {  	v2 =	vld.idx.msk [tilespmem:v1+s17+$0xFFFFFF20 ss:$0x1], $0xffff;
	_ =	sdelay $0x4  }
0x125: {  	[tilespmem:s16+$0xFFFFF030] =	vst v2  }
0x126: {  	v2 =	vld.idx.msk [tilespmem:v1+s17+$0xFFFFFF30 ss:$0x1], $0xffff;
	_ =	sdelay $0x4  }
0x127: {  	[tilespmem:s16+$0xFFFFF040] =	vst v2  }
0x128: {  	v2 =	vld.idx.msk [tilespmem:v1+s17+$0xFFFFFF40 ss:$0x1], $0xffff;
	_ =	sdelay $0x4  }
0x129: {  	[tilespmem:s16+$0xFFFFF050] =	vst v2  }
0x12a: {  	v2 =	vld.idx.msk [tilespmem:v1+s17+$0xFFFFFF50 ss:$0x1], $0xffff;
	_ =	sdelay $0x4  }
0x12b: {  	[tilespmem:s16+$0xFFFFF060] =	vst v2  }
0x12c: {  	v2 =	vld.idx.msk [tilespmem:v1+s17+$0xFFFFFF60 ss:$0x1], $0xffff;
	_ =	sdelay $0x4  }
0x12d: {  	[tilespmem:s16+$0xFFFFF070] =	vst v2  }
0x12e: {  	v2 =	vld.idx.msk [tilespmem:v1+s17+$0xFFFFFF70 ss:$0x1], $0xffff;
	_ =	sdelay $0x4  }
0x12f: {  	[tilespmem:s16+$0x0] =	vst v2  }
0x130: {  	v2 =	vld.idx.msk [tilespmem:v1+s17+$0xFFFFFF80 ss:$0x1], $0xffff;
	_ =	sdelay $0x4  }
0x131: {  	[tilespmem:s16+$0x10] =	vst v2  }
0x132: {  	v2 =	vld.idx.msk [tilespmem:v1+s17+$0xFFFFFF90 ss:$0x1], $0xffff;
	_ =	sdelay $0x4  }
0x133: {  	[tilespmem:s16+$0x20] =	vst v2  }
0x134: {  	v2 =	vld.idx.msk [tilespmem:v1+s17+$0xFFFFFFA0 ss:$0x1], $0xffff;
	_ =	sdelay $0x4  }
0x135: {  	[tilespmem:s16+$0x30] =	vst v2  }
0x136: {  	v2 =	vld.idx.msk [tilespmem:v1+s17+$0xFFFFFFB0 ss:$0x1], $0xffff;
	_ =	sdelay $0x4  }
0x137: {  	[tilespmem:s16+$0x40] =	vst v2  }
0x138: {  	v2 =	vld.idx.msk [tilespmem:v1+s17+$0xFFFFFFC0 ss:$0x1], $0xffff;
	_ =	sdelay $0x4  }
0x139: {  	[tilespmem:s16+$0x50] =	vst v2  }
0x13a: {  	v2 =	vld.idx.msk [tilespmem:v1+s17+$0xFFFFFFD0 ss:$0x1], $0xffff;
	_ =	sdelay $0x4  }
0x13b: {  	[tilespmem:s16+$0x60] =	vst v2  }
0x13c: {  	v2 =	vld.idx.msk [tilespmem:v1+s17+$0xFFFFFFE0 ss:$0x1], $0xffff;
	_ =	sdelay $0x4  }
0x13d: {  	[tilespmem:s16+$0x70] =	vst v2  }
0x13e: {  	v2 =	vld.idx.msk [tilespmem:v1+s17+$0xFFFFFFF0 ss:$0x1], $0xffff;
	_ =	sdelay $0x4  }
0x13f: {  	[tilespmem:s16+$0x1000] =	vst v2  }
0x140: {  	v1 =	vld.idx.msk [tilespmem:v1+s17+$0x0 ss:$0x1], $0xffff;
	[tilespmem:s16+$0x1020] =	vst v0  }
0x141: {  	[tilespmem:s16+$0x1030] =	vst v0  }
0x142: {  	[tilespmem:s16+$0x1040] =	vst v0  }
0x143: {  	[tilespmem:s16+$0x1050] =	vst v0  }
0x144: {  	s18 =	sshll.u32 s13, $0x9;
	[tilespmem:s16+$0x1060] =	vst v0  }
0x145: {  	[tilespmem:s16+$0x1070] =	vst v0;
	s17 =	sadd.s32 s6, s18  }
0x146: {  	s18 =	sadd.s32 s4, s17;
	[tilespmem:s16+$0x1010] =	vst v1  }
0x147: {  	[hbm4b:s18+s2] =	stream.linear.scatter [tilespmem:s15], [sflag:$0x9], $0x1000, $0x38;
	[tilespmem:$0x15D00] =	vst v63  }
0x148: {  	_ =	swait.ge [sflag:s11], $0x1000  }
0x149: {  	[sflag:s11] =	ssyncset.done $0x0  }
0x14a: {  	s16 =	sadd.s32 s17, s7;
	s18 =	sadd.s32 $0xED00, s14;
	[sflag:s11] =	ssyncadd.s32 $0xFFFFF000  }
0x14b: {  	[hbm4b:s16+s2] =	stream.linear.scatter [tilespmem:s18], [sflag:$0x9], $0x1000, $0x38;
	[tilespmem:$0x15D00] =	vst v63  }
0x14c: {  	_ =	swait.ge [sflag:s11], $0x1000  }
0x14d: {  	[sflag:s11] =	ssyncset.done $0x0  }
0x14e: {  	s16 =	sadd.s32 s17, s8;
	s18 =	sadd.s32 $0xFD00, s14;
	[sflag:s11] =	ssyncadd.s32 $0xFFFFF000  }
0x14f: {  	[hbm4b:s16+s2] =	stream.linear.scatter [tilespmem:s18], [sflag:$0x9], $0x1000, $0x38;
	[tilespmem:$0x15D00] =	vst v63  }
0x150: {  	s13 =	sadd.s32 $0x1, s13;
	_ =	swait.ge [sflag:s11], $0x1000  }
0x151: {  	p1 =	sne.s32 s13, $0x4;
	s17 =	sadd.s32 s17, s9;
	[sflag:s11] =	ssyncset.done $0x0  }
.Ltmp1:
0x152: {  	s18 =	sadd.s32 $0x10D00, s14;
	[sflag:s11] =	ssyncadd.s32 $0xFFFFF000;
	(pc) =	sbr.rel @p1 .LBB2_2-.Ltmp1, $4  }
0x153: {  	[hbm4b:s17+s2] =	stream.linear.scatter [tilespmem:s18], [sflag:$0x9], $0x1000, $0x38;
	[tilespmem:$0x15D00] =	vst v63  }
0x154: {  	_ =	swait.ge [sflag:s11], $0x1000  }
0x155: {  	[sflag:s11] =	ssyncset.done $0x0  }
0x156: {  	s0 =	sadd.s32 $0x3400, s0;
	p0 =	por !p0, !p0;
	[sflag:s11] =	ssyncadd.s32 $0xFFFFF000  }
0x157: {  	s1 =	sadd.s32 $0x1, s1  }
0x158: {  	p0 =	sne.s32 s1, s10  }
.Ltmp2:
0x159: {  	_ = 	snop;
	(pc) =	sbr.rel @p0 .LBB2_1-.Ltmp2, $1  }
0x15a: {  	_ =	sdelay $0x3  }
0x15b: {  	_ =	sfence.sel $0x180000  }
0x15c: {  	[bflag:$0x0] =	sbarrier.arrive $0xFFFF  }
0x15d: {  	_ =	strace $0x90000047  }
0x15e: {  	s0 =	stileid.u32;
	[bflag:$0x2] =	sbarrier.arrive $0xFFFF  }
0x15f: {  	p0 =	sne.s32 s0, $0x0;
	s0 =	rddreg [dreg:$0x1]  }
0x160: {  	s0 =	sadd.s32 @!p0 $0x100000, s0  }
0x161: {  	[sflag:s0] =	ssyncadd.tile.s32 @!p0 $0x1;
	_ =	shalt  }
.Lfunc_end2:
_tile_overlayer_lowered:
.L_overlay_start_2:
0x162: {  	(tag) =	ssettag $0x2  }
0x163: {  	s0 =	rddreg [dreg:$0x0];
	s2 =	stileid.u32  }
0x164: {  	s1 =	rddreg [dreg:$0x1];
	p0 =	sne.s32 s2, $0x0  }
0x165: {  	s3 =	rddreg [dreg:$0x2];
	[bflag:$0x3] =	sbarrier.arrive $0xFFFF;
	s2 =	simm.s32 @!p0 $0x1C09  }
0x166: {  	[timem:s3], [sflag:s2] =	dma.local @!p0 [hbm:s0], s1  }
0x167: {  	s0 =	simm.s32 @!p0 $0x9  }
0x168: {  	_ =	swait.ge @!p0 [sflag:s0], s1  }
0x169: {  	s1 =	ssub.s32 @!p0 $0x0, s1;
	[sflag:s0] =	ssyncset.done @!p0 $0x0  }
0x16a: {  	[sflag:s0] =	ssyncadd.s32 @!p0 s1  }
0x16b: {  	[bflag:$0x3] =	sbarrier.arrive $0xFFFF  }
0x16c: {  	_ =	shalt  }

</sc_bundles>
